<compile_context>
chip_gen: v7x
topology: tpu7x:2x2x1
jax: 0.10.2.dev20260603
libtpu: 0.0.44.dev20260713+nightly
codegen_flags: <defaults>
</compile_context>

<pallas_src>
import functools

import jax
import jax.numpy as jnp
from jax import lax
from jax.experimental import pallas as pl
from jax.experimental.pallas import tpu as pltpu
from jax.experimental.pallas import tpu_sc as plsc

N_NODES_C = 10000
D_C = 128
E_C = 320000
B_C = 256
K_C = 200
NBLK = 1024
NPAD = 10240
ALPHA_C = 0.5

NC = 2
NS = 16
NW = NC * NS
EWP = 10240
EROWS = EWP // 128
SL = NPAD // NS

def _sc_mesh():
    return plsc.VectorSubcoreMesh(core_axis_name="c", subcore_axis_name="s",
                                  num_cores=NC, num_subcores=NS)



def _deg_body(dst3_hbm, out_hbm, dst_v, ones_v, slice_v, deg_sh, sem):
    c = lax.axis_index("c")
    s = lax.axis_index("s")
    wid = s * NC + c

    pltpu.sync_copy(dst3_hbm.at[wid], dst_v)

    def fill(i, carry):
        ones_v[pl.ds(pl.multiple_of(i * 16, 16), 16)] = jnp.full((16,), 1.0,
                                                                 jnp.float32)
        return carry

    lax.fori_loop(0, EWP // 16, fill, 0)

    def zero(i, carry):
        slice_v[pl.ds(pl.multiple_of(i * 16, 16), 16)] = jnp.zeros(
            (16,), jnp.float32)
        return carry

    lax.fori_loop(0, SL // 16, zero, 0)
    pltpu.sync_copy(slice_v, deg_sh.at[pl.ds(s * SL, SL)])
    plsc.subcore_barrier()

    def scat(j, carry):
        pltpu.sync_copy(ones_v.at[pl.ds(pl.multiple_of(j * 128, 128), 128)],
                        deg_sh.at[dst_v.at[j]], add=True)
        return carry

    lax.fori_loop(0, EROWS, scat, 0)
    plsc.subcore_barrier()

    pltpu.sync_copy(deg_sh.at[pl.ds(s * SL, SL)], slice_v)
    pltpu.sync_copy(slice_v, out_hbm.at[c, pl.ds(s * SL, SL)])


def _deg_call(dst3):
    return pl.kernel(
        _deg_body,
        out_type=jax.ShapeDtypeStruct((NC, NPAD), jnp.float32),
        mesh=_sc_mesh(),
        scratch_types=[
            pltpu.VMEM((EROWS, 128), jnp.int32),
            pltpu.VMEM((EWP,), jnp.float32),
            pltpu.VMEM((SL,), jnp.float32),
            pltpu.VMEM_SHARED((NPAD,), jnp.float32),
            pltpu.SemaphoreType.DMA,
        ],
    )(dst3)



def _edge_body(dst3_hbm, dstf_hbm, srcf_hbm, dinv_hbm, hv_hbm,
               rs_hbm, hm_hbm,
               dst_v, dstf_v, srcf_v, dinv_v, hv_v, ev_v, hmv_v, slice_v,
               rs_sh, hm_sh, sem):
    c = lax.axis_index("c")
    s = lax.axis_index("s")
    wid = s * NC + c

    pltpu.sync_copy(dst3_hbm.at[wid], dst_v)
    pltpu.sync_copy(dstf_hbm.at[wid], dstf_v)
    pltpu.sync_copy(srcf_hbm.at[wid], srcf_v)
    pltpu.sync_copy(dinv_hbm, dinv_v)
    pltpu.sync_copy(hv_hbm, hv_v)

    def zero(i, carry):
        slice_v[pl.ds(pl.multiple_of(i * 16, 16), 16)] = jnp.zeros(
            (16,), jnp.float32)
        return carry

    lax.fori_loop(0, SL // 16, zero, 0)
    pltpu.sync_copy(slice_v, rs_sh.at[pl.ds(s * SL, SL)])
    pltpu.sync_copy(slice_v, hm_sh.at[pl.ds(s * SL, SL)])
    plsc.subcore_barrier()

    def gath(i, carry):
        off = pl.ds(pl.multiple_of(i * 16, 16), 16)
        id_d = dstf_v[off]
        id_s = srcf_v[off]
        dv = plsc.load_gather(dinv_v, [id_d])
        sv = plsc.load_gather(dinv_v, [id_s])
        ev_v[off] = dv * sv
        hmv_v[off] = plsc.load_gather(hv_v, [id_s])
        return carry

    lax.fori_loop(0, EWP // 16, gath, 0)

    def scat(j, carry):
        row = pl.ds(pl.multiple_of(j * 128, 128), 128)
        pltpu.sync_copy(ev_v.at[row], rs_sh.at[dst_v.at[j]], add=True)
        pltpu.sync_copy(hmv_v.at[row], hm_sh.at[dst_v.at[j]], add=True)
        return carry

    lax.fori_loop(0, EROWS, scat, 0)
    plsc.subcore_barrier()

    sl = pl.ds(s * SL, SL)
    pltpu.sync_copy(rs_sh.at[sl], slice_v)
    pltpu.sync_copy(slice_v, rs_hbm.at[c, sl])
    pltpu.sync_copy(hm_sh.at[sl], slice_v)
    pltpu.sync_copy(slice_v, hm_hbm.at[c, sl])


def _edge_call(dst3, dstf, srcf, dinv, hv):
    return pl.kernel(
        _edge_body,
        out_type=(jax.ShapeDtypeStruct((NC, NPAD), jnp.float32),
                  jax.ShapeDtypeStruct((NC, NPAD), jnp.float32)),
        mesh=_sc_mesh(),
        compiler_params=pltpu.CompilerParams(needs_layout_passes=False),
        scratch_types=[
            pltpu.VMEM((EROWS, 128), jnp.int32),
            pltpu.VMEM((EWP,), jnp.int32),
            pltpu.VMEM((EWP,), jnp.int32),
            pltpu.VMEM((NPAD,), jnp.float32),
            pltpu.VMEM((NPAD,), jnp.float32),
            pltpu.VMEM((EWP,), jnp.float32),
            pltpu.VMEM((EWP,), jnp.float32),
            pltpu.VMEM((SL,), jnp.float32),
            pltpu.VMEM_SHARED((NPAD,), jnp.float32),
            pltpu.VMEM_SHARED((NPAD,), jnp.float32),
            pltpu.SemaphoreType.DMA,
        ],
    )(dst3, dstf, srcf, dinv, hv)



def _hv_body(xblk_ref, wmat_ref, out_ref):
    out_ref[...] = jax.lax.dot_general(
        wmat_ref[...], xblk_ref[...], (((1,), (1,)), ((), ())),
        preferred_element_type=jnp.float32)


def _hv_call(xpad, wmat):
    return pl.pallas_call(
        _hv_body,
        grid=(NPAD // NBLK,),
        in_specs=[
            pl.BlockSpec((NBLK, D_C), lambda j: (j, 0)),
            pl.BlockSpec((8, D_C), lambda j: (0, 0)),
        ],
        out_specs=pl.BlockSpec((8, NBLK), lambda j: (0, j)),
        out_shape=jax.ShapeDtypeStruct((8, NPAD), jnp.float32),
    )(xpad, wmat)



def _dense_body(xb_ref, xblk_ref, wr_ref, wu_ref, wth_ref, nimp_ref,
                layer_ref, lr_root_ref, ni_root_ref, p_ref, th_ref):
    j = pl.program_id(0)
    xb = xb_ref[...]
    a = xb * wr_ref[...]
    an = jnp.maximum(jnp.sqrt(jnp.sum(a * a, axis=1, keepdims=True)), 1e-6)
    bb = xb * wu_ref[...]
    bn_r = jnp.maximum(jnp.sqrt(jnp.sum(bb * bb, axis=1, keepdims=True)), 1e-6)
    ego_root = jnp.sum(a * bb, axis=1, keepdims=True) / (an * bn_r)
    p_root = (ALPHA_C * ego_root
              + (1.0 - ALPHA_C) * lr_root_ref[...]) * ni_root_ref[...]

    b = xblk_ref[...] * wu_ref[...]
    bn = jnp.maximum(jnp.sqrt(jnp.sum(b * b, axis=1, keepdims=True)), 1e-6)
    num = jax.lax.dot_general(a, b, (((1,), (1,)), ((), ())),
                              preferred_element_type=jnp.float32)
    ego = num / (an * bn.T)
    p = (ALPHA_C * ego + (1.0 - ALPHA_C) * layer_ref[...]) * nimp_ref[...]
    p = p / (p_root + 1e-7) + 1.0
    p = jnp.clip(p, 0.01, 1.0)
    col = j * NBLK + jax.lax.broadcasted_iota(jnp.int32, (1, NBLK), 1)
    p_ref[...] = jnp.where(col < N_NODES_C, p, -1.0)
    th_ref[...] = jax.lax.dot_general(xb, wth_ref[...], (((1,), (0,)), ((), ())),
                                      preferred_element_type=jnp.float32)


def _dense_call(xb, xpad, w_r, w_u, w_th, nimp_pad, layer_pad, lr_root,
                ni_root):
    grid = (NPAD // NBLK,)
    return pl.pallas_call(
        _dense_body,
        grid=grid,
        in_specs=[
            pl.BlockSpec((B_C, D_C), lambda j: (0, 0)),
            pl.BlockSpec((NBLK, D_C), lambda j: (j, 0)),
            pl.BlockSpec((1, D_C), lambda j: (0, 0)),
            pl.BlockSpec((1, D_C), lambda j: (0, 0)),
            pl.BlockSpec((D_C, 1), lambda j: (0, 0)),
            pl.BlockSpec((1, NBLK), lambda j: (0, j)),
            pl.BlockSpec((1, NBLK), lambda j: (0, j)),
            pl.BlockSpec((B_C, 1), lambda j: (0, 0)),
            pl.BlockSpec((B_C, 1), lambda j: (0, 0)),
        ],
        out_specs=[
            pl.BlockSpec((B_C, NBLK), lambda j: (0, j)),
            pl.BlockSpec((B_C, 1), lambda j: (0, 0)),
        ],
        out_shape=[
            jax.ShapeDtypeStruct((B_C, NPAD), jnp.float32),
            jax.ShapeDtypeStruct((B_C, 1), jnp.float32),
        ],
    )(xb, xpad, w_r, w_u, w_th, nimp_pad, layer_pad, lr_root, ni_root)


def kernel(x, edge_index, batch_nodes, w_ego_root, w_ego_u, w_layer_v,
           w_layer_u, w_threshold):
    N = x.shape[0]
    src = edge_index[0]
    dst = edge_index[1]

    epad = NW * EWP - E_C
    pad_idx = jnp.full((epad,), N_NODES_C, jnp.int32)
    dstp = jnp.concatenate([dst, pad_idx])
    srcp = jnp.concatenate([src, pad_idx])
    dst3 = dstp.reshape(NW, EROWS, 128)
    dstf = dstp.reshape(NW, EWP)
    srcf = srcp.reshape(NW, EWP)
    xpad = jnp.pad(x, ((0, NPAD - N), (0, 0)))

    wmat = jnp.zeros((8, D_C), jnp.float32)
    wmat = wmat.at[0].set(w_layer_v.reshape(-1)).at[1].set(w_layer_u.reshape(-1))
    hv_uv = _hv_call(xpad, wmat)
    h_v = hv_uv[0]
    u_v = hv_uv[1]

    deg_part = _deg_call(dst3)
    deg_inv = 1.0 / (deg_part[0] + deg_part[1] + 1.0)

    rs_part, hm_part = _edge_call(dst3, dstf, srcf, deg_inv, h_v)

    rowsum = rs_part[0] + rs_part[1] + deg_inv * deg_inv
    n_imp = jnp.sqrt(rowsum)
    h = jax.nn.relu(hm_part[0] + hm_part[1] + u_v)[:N]
    layer_score = h / jnp.maximum(jnp.linalg.norm(h), 1e-12)

    xb = x[batch_nodes]
    lr_root = layer_score[batch_nodes].reshape(B_C, 1)
    ni_root = n_imp[batch_nodes].reshape(B_C, 1)

    nimp_pad = n_imp.reshape(1, NPAD)
    layer_pad = jnp.pad(layer_score, (0, NPAD - N)).reshape(1, NPAD)

    p_clip, th = _dense_call(xb, xpad, w_ego_root.reshape(1, D_C),
                             w_ego_u.reshape(1, D_C), w_threshold,
                             nimp_pad, layer_pad, lr_root, ni_root)

    SEG = 512
    nseg = NPAD // SEG
    pseg = p_clip.reshape(B_C * nseg, SEG)
    sv, si = jax.lax.top_k(pseg, K_C)
    gi = si.reshape(B_C, nseg, K_C) + (jnp.arange(nseg, dtype=jnp.int32)
                                       * SEG)[None, :, None]
    cand_v = sv.reshape(B_C, nseg * K_C)
    cand_i = gi.reshape(B_C, nseg * K_C)
    vals, pos = jax.lax.top_k(cand_v, K_C)
    idx = jnp.take_along_axis(cand_i, pos, axis=1)
    return vals, idx, th.reshape(-1)

# --- scband reference (transcript-rebuilt; emitter-appended) ---
"""Pipeline reference for scband-adaptive-sampler-39754217292235 (READ-ONLY COPY).

The authoritative reference and input builder live on the scoring server;
editing this copy changes nothing except your own understanding.
"""

import jax, jax.numpy as jnp
import numpy as np

N_NODES = 10000
D_FEAT = 128
N_EDGES = 320000
BATCH = 256
NODE_BUDGET = 200
ALPHA = 0.5


def setup_inputs(seed: int = 0) -> dict:
    key = jax.random.key(seed)
    ks = jax.random.split(key, 8)
    bound = 1.0 / np.sqrt(D_FEAT)
    x = jax.random.normal(ks[0], (N_NODES, D_FEAT), dtype=jnp.float32)
    edge_index = jax.random.randint(ks[1], (2, N_EDGES), 0, N_NODES, dtype=jnp.int32)
    batch_nodes = jax.random.randint(ks[2], (BATCH,), 0, N_NODES, dtype=jnp.int32)
    w_ego_root = jax.random.uniform(ks[3], (D_FEAT,), minval=-bound, maxval=bound, dtype=jnp.float32)
    w_ego_u = jax.random.uniform(ks[4], (D_FEAT,), minval=-bound, maxval=bound, dtype=jnp.float32)
    w_layer_v = jax.random.uniform(ks[5], (D_FEAT, 1), minval=-bound, maxval=bound, dtype=jnp.float32)
    w_layer_u = jax.random.uniform(ks[6], (D_FEAT, 1), minval=-bound, maxval=bound, dtype=jnp.float32)
    w_threshold = jnp.zeros((D_FEAT, 1), dtype=jnp.float32)
    return {
        'x': x,
        'edge_index': edge_index,
        'batch_nodes': batch_nodes,
        'w_ego_root': w_ego_root,
        'w_ego_u': w_ego_u,
        'w_layer_v': w_layer_v,
        'w_layer_u': w_layer_u,
        'w_threshold': w_threshold,
    }


def reference(x, edge_index, batch_nodes, w_ego_root, w_ego_u, w_layer_v, w_layer_u, w_threshold):
    N = x.shape[0]
    src = edge_index[0]
    dst = edge_index[1]

    # heuristic_importance: D^-1 (A + I) D^-1 row-sum, sqrt (adj_t rows indexed by dst)
    deg = jnp.zeros((N,), jnp.float32).at[dst].add(1.0) + 1.0
    deg_inv = 1.0 / deg
    edge_val = deg_inv[dst] * deg_inv[src]
    rowsum = jnp.zeros((N,), jnp.float32).at[dst].add(edge_val) + deg_inv * deg_inv
    n_imp = jnp.sqrt(rowsum)

    # thresholds (x[batch] @ w_threshold)
    thresholds = (x[batch_nodes] @ w_threshold).reshape(-1)

    # ego kernel: cosine(x_root * w_ego_root, x_u * w_ego_u), eps=1e-6
    a_feat = x[batch_nodes] * w_ego_root  # [B, d]
    b_feat = x * w_ego_u                  # [N, d]
    num = a_feat @ b_feat.T               # [B, N]
    an = jnp.maximum(jnp.linalg.norm(a_feat, axis=-1), 1e-6)
    bn = jnp.maximum(jnp.linalg.norm(b_feat, axis=-1), 1e-6)
    ego_score = num / (an[:, None] * bn[None, :])

    # layer kernel: h_msg = scatter-add of (x @ w_layer_v) over edges; normalize(relu(h_msg + x @ w_layer_u), dim=0)
    h_v = x @ w_layer_v                                      # [N, 1]
    h_msg = jnp.zeros((N, 1), jnp.float32).at[dst].add(h_v[src])
    h = jax.nn.relu(h_msg + x @ w_layer_u)
    layer_score = (h / jnp.maximum(jnp.linalg.norm(h, axis=0, keepdims=True), 1e-12)).reshape(-1)  # [N]

    p_u = (ALPHA * ego_score + (1.0 - ALPHA) * layer_score[None, :]) * n_imp[None, :]  # [B, N]
    p_root = p_u[jnp.arange(p_u.shape[0]), batch_nodes]  # hop-1 norm: score of root itself (detached)
    p_u = p_u / (jax.lax.stop_gradient(p_root)[:, None] + 1e-7) + 1.0
    p_clip = jnp.clip(p_u, 0.01, 1.0)

    # budgeted selection (deterministic top-k in place of multinomial)
    vals, idx = jax.lax.top_k(p_clip, NODE_BUDGET)
    return vals, idx, thresholds

if __name__ == "__main__":
    import jax
    _d = setup_inputs()
    print(jax.jit(kernel)(*tuple(_d.values())))

</pallas_src>

<mosaic_0001>
#map = affine_map<(d0, d1) -> (0, 0, 0)>
#map1 = affine_map<(d0, d1) -> (0, 0)>
#map2 = affine_map<(d0, d1) -> (0)>
module attributes {stable_mosaic.version = 14 : i64} {
  func.func @_edge_body(%arg0: i32, %arg1: i32, %arg2: memref<32x80x128xi32, #tpu.memory_space<hbm>>, %arg3: memref<32x10240xi32, #tpu.memory_space<hbm>>, %arg4: memref<32x10240xi32, #tpu.memory_space<hbm>>, %arg5: memref<10240xf32, #tpu.memory_space<hbm>>, %arg6: memref<10240xf32, #tpu.memory_space<hbm>>, %arg7: memref<2x10240xf32, #tpu.memory_space<hbm>>, %arg8: memref<2x10240xf32, #tpu.memory_space<hbm>>, %arg9: memref<80x128xi32, #tpu.memory_space<vmem>>, %arg10: memref<10240xi32, #tpu.memory_space<vmem>>, %arg11: memref<10240xi32, #tpu.memory_space<vmem>>, %arg12: memref<10240xf32, #tpu.memory_space<vmem>>, %arg13: memref<10240xf32, #tpu.memory_space<vmem>>, %arg14: memref<10240xf32, #tpu.memory_space<vmem>>, %arg15: memref<10240xf32, #tpu.memory_space<vmem>>, %arg16: memref<640xf32, #tpu.memory_space<vmem>>, %arg17: memref<10240xf32, #tpu.memory_space<vmem_shared>>, %arg18: memref<10240xf32, #tpu.memory_space<vmem_shared>>, %arg19: memref<!tpu.dma_semaphore, #tpu.memory_space<semaphore_mem>>) attributes {dimension_semantics = [#tpu.dimension_semantics<core_parallel>, #tpu.dimension_semantics<subcore_parallel>], iteration_bounds = array<i64: 2, 16>, scalar_prefetch = 0 : i64, scratch_operands = 11 : i64, tpu.core_type = #tpu.core_type<sc_vector_subcore>, window_params = [{transform_indices = #map}, {transform_indices = #map1}, {transform_indices = #map1}, {transform_indices = #map2}, {transform_indices = #map2}, {transform_indices = #map1}, {transform_indices = #map1}]} {
    %mul3A = arith.constant 2 : i32
    %mul3A_0 = arith.muli %arg1, %mul3A : i32
    %add3A = arith.addi %mul3A_0, %arg0 : i32
    "tpu.region"() ({
      %run_scoped3A = tpu.sem_alloc : memref<!tpu.dma_semaphore, #tpu.memory_space<semaphore_mem>>
      %dma_start3A = arith.constant 0 : i32
      %dma_start3A_25 = arith.constant 0 : i32
      %dma_start3A_26 = tpu.memref_slice %arg2[%add3A, %dma_start3A, %dma_start3A_25] : memref<32x80x128xi32, #tpu.memory_space<hbm>> -> memref<1x80x128xi32, #tpu.memory_space<hbm>>
      %dma_start3A_27 = tpu.memref_squeeze %dma_start3A_26 : memref<1x80x128xi32, #tpu.memory_space<hbm>> -> memref<80x128xi32, #tpu.memory_space<hbm>>
      %dma_start3A_28 = arith.constant 0 : i32
      %dma_start3A_29 = arith.constant 0 : i32
      %dma_start3A_30 = tpu.memref_slice %arg2[%add3A, %dma_start3A_28, %dma_start3A_29] : memref<32x80x128xi32, #tpu.memory_space<hbm>> -> memref<1x80x128xi32, #tpu.memory_space<hbm>>
      %dma_start3A_31 = tpu.memref_squeeze %dma_start3A_30 : memref<1x80x128xi32, #tpu.memory_space<hbm>> -> memref<80x128xi32, #tpu.memory_space<hbm>>
      tpu.enqueue_dma source(%dma_start3A_31 : memref<80x128xi32, #tpu.memory_space<hbm>>) target(%arg9 : memref<80x128xi32, #tpu.memory_space<vmem>>) target_semaphore(%run_scoped3A : memref<!tpu.dma_semaphore, #tpu.memory_space<semaphore_mem>>)
      %dma_wait3A = arith.constant 0 : i32
      %dma_wait3A_32 = arith.constant 0 : i32
      %dma_wait3A_33 = tpu.memref_slice %arg2[%add3A, %dma_wait3A, %dma_wait3A_32] : memref<32x80x128xi32, #tpu.memory_space<hbm>> -> memref<1x80x128xi32, #tpu.memory_space<hbm>>
      %dma_wait3A_34 = tpu.memref_squeeze %dma_wait3A_33 : memref<1x80x128xi32, #tpu.memory_space<hbm>> -> memref<80x128xi32, #tpu.memory_space<hbm>>
      %dma_wait3A_35 = arith.constant 0 : i32
      %dma_wait3A_36 = arith.constant 0 : i32
      %dma_wait3A_37 = tpu.memref_slice %arg2[%add3A, %dma_wait3A_35, %dma_wait3A_36] : memref<32x80x128xi32, #tpu.memory_space<hbm>> -> memref<1x80x128xi32, #tpu.memory_space<hbm>>
      %dma_wait3A_38 = tpu.memref_squeeze %dma_wait3A_37 : memref<1x80x128xi32, #tpu.memory_space<hbm>> -> memref<80x128xi32, #tpu.memory_space<hbm>>
      tpu.wait_dma2 semaphore(%run_scoped3A : memref<!tpu.dma_semaphore, #tpu.memory_space<semaphore_mem>>) src(%dma_wait3A_38 : memref<80x128xi32, #tpu.memory_space<hbm>>) dst(%arg9 : memref<80x128xi32, #tpu.memory_space<vmem>>)
      tpu.yield
    }) : () -> ()
    "tpu.region"() ({
      %run_scoped3A = tpu.sem_alloc : memref<!tpu.dma_semaphore, #tpu.memory_space<semaphore_mem>>
      %dma_start3A = arith.constant 0 : i32
      %dma_start3A_25 = tpu.memref_slice %arg3[%add3A, %dma_start3A] : memref<32x10240xi32, #tpu.memory_space<hbm>> -> memref<1x10240xi32, #tpu.memory_space<hbm>>
      %dma_start3A_26 = tpu.memref_squeeze %dma_start3A_25 : memref<1x10240xi32, #tpu.memory_space<hbm>> -> memref<10240xi32, #tpu.memory_space<hbm>>
      %dma_start3A_27 = arith.constant 0 : i32
      %dma_start3A_28 = tpu.memref_slice %arg3[%add3A, %dma_start3A_27] : memref<32x10240xi32, #tpu.memory_space<hbm>> -> memref<1x10240xi32, #tpu.memory_space<hbm>>
      %dma_start3A_29 = tpu.memref_squeeze %dma_start3A_28 : memref<1x10240xi32, #tpu.memory_space<hbm>> -> memref<10240xi32, #tpu.memory_space<hbm>>
      tpu.enqueue_dma source(%dma_start3A_29 : memref<10240xi32, #tpu.memory_space<hbm>>) target(%arg10 : memref<10240xi32, #tpu.memory_space<vmem>>) target_semaphore(%run_scoped3A : memref<!tpu.dma_semaphore, #tpu.memory_space<semaphore_mem>>)
      %dma_wait3A = arith.constant 0 : i32
      %dma_wait3A_30 = tpu.memref_slice %arg3[%add3A, %dma_wait3A] : memref<32x10240xi32, #tpu.memory_space<hbm>> -> memref<1x10240xi32, #tpu.memory_space<hbm>>
      %dma_wait3A_31 = tpu.memref_squeeze %dma_wait3A_30 : memref<1x10240xi32, #tpu.memory_space<hbm>> -> memref<10240xi32, #tpu.memory_space<hbm>>
      %dma_wait3A_32 = arith.constant 0 : i32
      %dma_wait3A_33 = tpu.memref_slice %arg3[%add3A, %dma_wait3A_32] : memref<32x10240xi32, #tpu.memory_space<hbm>> -> memref<1x10240xi32, #tpu.memory_space<hbm>>
      %dma_wait3A_34 = tpu.memref_squeeze %dma_wait3A_33 : memref<1x10240xi32, #tpu.memory_space<hbm>> -> memref<10240xi32, #tpu.memory_space<hbm>>
      tpu.wait_dma2 semaphore(%run_scoped3A : memref<!tpu.dma_semaphore, #tpu.memory_space<semaphore_mem>>) src(%dma_wait3A_34 : memref<10240xi32, #tpu.memory_space<hbm>>) dst(%arg10 : memref<10240xi32, #tpu.memory_space<vmem>>)
      tpu.yield
    }) : () -> ()
    "tpu.region"() ({
      %run_scoped3A = tpu.sem_alloc : memref<!tpu.dma_semaphore, #tpu.memory_space<semaphore_mem>>
      %dma_start3A = arith.constant 0 : i32
      %dma_start3A_25 = tpu.memref_slice %arg4[%add3A, %dma_start3A] : memref<32x10240xi32, #tpu.memory_space<hbm>> -> memref<1x10240xi32, #tpu.memory_space<hbm>>
      %dma_start3A_26 = tpu.memref_squeeze %dma_start3A_25 : memref<1x10240xi32, #tpu.memory_space<hbm>> -> memref<10240xi32, #tpu.memory_space<hbm>>
      %dma_start3A_27 = arith.constant 0 : i32
      %dma_start3A_28 = tpu.memref_slice %arg4[%add3A, %dma_start3A_27] : memref<32x10240xi32, #tpu.memory_space<hbm>> -> memref<1x10240xi32, #tpu.memory_space<hbm>>
      %dma_start3A_29 = tpu.memref_squeeze %dma_start3A_28 : memref<1x10240xi32, #tpu.memory_space<hbm>> -> memref<10240xi32, #tpu.memory_space<hbm>>
      tpu.enqueue_dma source(%dma_start3A_29 : memref<10240xi32, #tpu.memory_space<hbm>>) target(%arg11 : memref<10240xi32, #tpu.memory_space<vmem>>) target_semaphore(%run_scoped3A : memref<!tpu.dma_semaphore, #tpu.memory_space<semaphore_mem>>)
      %dma_wait3A = arith.constant 0 : i32
      %dma_wait3A_30 = tpu.memref_slice %arg4[%add3A, %dma_wait3A] : memref<32x10240xi32, #tpu.memory_space<hbm>> -> memref<1x10240xi32, #tpu.memory_space<hbm>>
      %dma_wait3A_31 = tpu.memref_squeeze %dma_wait3A_30 : memref<1x10240xi32, #tpu.memory_space<hbm>> -> memref<10240xi32, #tpu.memory_space<hbm>>
      %dma_wait3A_32 = arith.constant 0 : i32
      %dma_wait3A_33 = tpu.memref_slice %arg4[%add3A, %dma_wait3A_32] : memref<32x10240xi32, #tpu.memory_space<hbm>> -> memref<1x10240xi32, #tpu.memory_space<hbm>>
      %dma_wait3A_34 = tpu.memref_squeeze %dma_wait3A_33 : memref<1x10240xi32, #tpu.memory_space<hbm>> -> memref<10240xi32, #tpu.memory_space<hbm>>
      tpu.wait_dma2 semaphore(%run_scoped3A : memref<!tpu.dma_semaphore, #tpu.memory_space<semaphore_mem>>) src(%dma_wait3A_34 : memref<10240xi32, #tpu.memory_space<hbm>>) dst(%arg11 : memref<10240xi32, #tpu.memory_space<vmem>>)
      tpu.yield
    }) : () -> ()
    "tpu.region"() ({
      %run_scoped3A = tpu.sem_alloc : memref<!tpu.dma_semaphore, #tpu.memory_space<semaphore_mem>>
      tpu.enqueue_dma source(%arg5 : memref<10240xf32, #tpu.memory_space<hbm>>) target(%arg12 : memref<10240xf32, #tpu.memory_space<vmem>>) target_semaphore(%run_scoped3A : memref<!tpu.dma_semaphore, #tpu.memory_space<semaphore_mem>>)
      tpu.wait_dma2 semaphore(%run_scoped3A : memref<!tpu.dma_semaphore, #tpu.memory_space<semaphore_mem>>) src(%arg5 : memref<10240xf32, #tpu.memory_space<hbm>>) dst(%arg12 : memref<10240xf32, #tpu.memory_space<vmem>>)
      tpu.yield
    }) : () -> ()
    "tpu.region"() ({
      %run_scoped3A = tpu.sem_alloc : memref<!tpu.dma_semaphore, #tpu.memory_space<semaphore_mem>>
      tpu.enqueue_dma source(%arg6 : memref<10240xf32, #tpu.memory_space<hbm>>) target(%arg13 : memref<10240xf32, #tpu.memory_space<vmem>>) target_semaphore(%run_scoped3A : memref<!tpu.dma_semaphore, #tpu.memory_space<semaphore_mem>>)
      tpu.wait_dma2 semaphore(%run_scoped3A : memref<!tpu.dma_semaphore, #tpu.memory_space<semaphore_mem>>) src(%arg6 : memref<10240xf32, #tpu.memory_space<hbm>>) dst(%arg13 : memref<10240xf32, #tpu.memory_space<vmem>>)
      tpu.yield
    }) : () -> ()
    %scan3A = arith.constant 0 : i32
    %scan3A_1 = arith.constant 0 : i32
    %scan3A_2 = arith.constant 40 : i32
    %scan3A_3 = arith.addi %scan3A_1, %scan3A_2 : i32
    %scan3A_4 = arith.constant 1 : i32
    scf.for %scan3A_25 = %scan3A_1 to %scan3A_3 step %scan3A_4  : i32 {
      %broadcast_in_dim3A = arith.constant 0.000000e+00 : f32
      %broadcast_in_dim3A_26 = vector.broadcast %broadcast_in_dim3A : f32 to vector<16xf32>
      %mul3A_27 = arith.constant 16 : i32
      %mul3A_28 = arith.muli %scan3A_25, %mul3A_27 : i32
      %multiple_of3A = tpu.assume_multiple %mul3A_28, 16 : i32
      %swap3A = arith.index_cast %multiple_of3A : i32 to index
      %swap3A_29 = tpu.vector_load %arg16[%swap3A] {strides = array<i32>} : memref<640xf32, #tpu.memory_space<vmem>>, vector<16xf32>,
      %swap3A_30 = vector.shape_cast %swap3A_29 : vector<16xf32> to vector<16xf32>
      %swap3A_31 = vector.shape_cast %broadcast_in_dim3A_26 : vector<16xf32> to vector<16xf32>
      tpu.vector_store %arg16[%swap3A], %swap3A_31 {strides = array<i32>} : memref<640xf32, #tpu.memory_space<vmem>>, vector<16xf32>,
    }
    %scan3A_5 = arith.constant 40 : i32
    %mul3A_6 = arith.constant 640 : i32
    %mul3A_7 = arith.muli %arg1, %mul3A_6 : i32
    "tpu.region"() ({
      %run_scoped3A = tpu.sem_alloc : memref<!tpu.dma_semaphore, #tpu.memory_space<semaphore_mem>>
      %dma_start3A = tpu.memref_slice %arg17[%mul3A_7] : memref<10240xf32, #tpu.memory_space<vmem_shared>> -> memref<640xf32, #tpu.memory_space<vmem_shared>>
      %dma_start3A_25 = tpu.memref_slice %arg17[%mul3A_7] : memref<10240xf32, #tpu.memory_space<vmem_shared>> -> memref<640xf32, #tpu.memory_space<vmem_shared>>
      tpu.enqueue_dma source(%arg16 : memref<640xf32, #tpu.memory_space<vmem>>) target(%dma_start3A_25 : memref<640xf32, #tpu.memory_space<vmem_shared>>) target_semaphore(%run_scoped3A : memref<!tpu.dma_semaphore, #tpu.memory_space<semaphore_mem>>)
      %dma_wait3A = tpu.memref_slice %arg17[%mul3A_7] : memref<10240xf32, #tpu.memory_space<vmem_shared>> -> memref<640xf32, #tpu.memory_space<vmem_shared>>
      %dma_wait3A_26 = tpu.memref_slice %arg17[%mul3A_7] : memref<10240xf32, #tpu.memory_space<vmem_shared>> -> memref<640xf32, #tpu.memory_space<vmem_shared>>
      tpu.wait_dma2 semaphore(%run_scoped3A : memref<!tpu.dma_semaphore, #tpu.memory_space<semaphore_mem>>) src(%arg16 : memref<640xf32, #tpu.memory_space<vmem>>) dst(%dma_wait3A_26 : memref<640xf32, #tpu.memory_space<vmem_shared>>)
      tpu.yield
    }) : () -> ()
    %mul3A_8 = arith.constant 640 : i32
    %mul3A_9 = arith.muli %arg1, %mul3A_8 : i32
    "tpu.region"() ({
      %run_scoped3A = tpu.sem_alloc : memref<!tpu.dma_semaphore, #tpu.memory_space<semaphore_mem>>
      %dma_start3A = tpu.memref_slice %arg18[%mul3A_9] : memref<10240xf32, #tpu.memory_space<vmem_shared>> -> memref<640xf32, #tpu.memory_space<vmem_shared>>
      %dma_start3A_25 = tpu.memref_slice %arg18[%mul3A_9] : memref<10240xf32, #tpu.memory_space<vmem_shared>> -> memref<640xf32, #tpu.memory_space<vmem_shared>>
      tpu.enqueue_dma source(%arg16 : memref<640xf32, #tpu.memory_space<vmem>>) target(%dma_start3A_25 : memref<640xf32, #tpu.memory_space<vmem_shared>>) target_semaphore(%run_scoped3A : memref<!tpu.dma_semaphore, #tpu.memory_space<semaphore_mem>>)
      %dma_wait3A = tpu.memref_slice %arg18[%mul3A_9] : memref<10240xf32, #tpu.memory_space<vmem_shared>> -> memref<640xf32, #tpu.memory_space<vmem_shared>>
      %dma_wait3A_26 = tpu.memref_slice %arg18[%mul3A_9] : memref<10240xf32, #tpu.memory_space<vmem_shared>> -> memref<640xf32, #tpu.memory_space<vmem_shared>>
      tpu.wait_dma2 semaphore(%run_scoped3A : memref<!tpu.dma_semaphore, #tpu.memory_space<semaphore_mem>>) src(%arg16 : memref<640xf32, #tpu.memory_space<vmem>>) dst(%dma_wait3A_26 : memref<640xf32, #tpu.memory_space<vmem_shared>>)
      tpu.yield
    }) : () -> ()
    %barrier3A = arith.constant 0 : index
    tpu.barrier barrier_id(%barrier3A)
    %scan3A_10 = arith.constant 0 : i32
    %scan3A_11 = arith.constant 0 : i32
    %scan3A_12 = arith.constant 640 : i32
    %scan3A_13 = arith.addi %scan3A_11, %scan3A_12 : i32
    %scan3A_14 = arith.constant 1 : i32
    scf.for %scan3A_25 = %scan3A_11 to %scan3A_13 step %scan3A_14  : i32 {
      %mul3A_26 = arith.constant 16 : i32
      %mul3A_27 = arith.muli %scan3A_25, %mul3A_26 : i32
      %multiple_of3A = tpu.assume_multiple %mul3A_27, 16 : i32
      %get3A = arith.index_cast %multiple_of3A : i32 to index
      %get3A_28 = tpu.vector_load %arg10[%get3A] {strides = array<i32>} : memref<10240xi32, #tpu.memory_space<vmem>>, vector<16xi32>,
      %get3A_29 = arith.index_cast %multiple_of3A : i32 to index
      %get3A_30 = tpu.vector_load %arg11[%get3A_29] {strides = array<i32>} : memref<10240xi32, #tpu.memory_space<vmem>>, vector<16xi32>,
      %gather3A = tpu.vector_load_idx %arg12[%get3A_28] : memref<10240xf32, #tpu.memory_space<vmem>>[vector<16xi32>], vector<16xf32>,
      %gather3A_31 = tpu.vector_load_idx %arg12[%get3A_30] : memref<10240xf32, #tpu.memory_space<vmem>>[vector<16xi32>], vector<16xf32>,
      %mul3A_32 = arith.mulf %gather3A, %gather3A_31 : vector<16xf32>
      %swap3A = arith.index_cast %multiple_of3A : i32 to index
      %swap3A_33 = tpu.vector_load %arg14[%swap3A] {strides = array<i32>} : memref<10240xf32, #tpu.memory_space<vmem>>, vector<16xf32>,
      %swap3A_34 = vector.shape_cast %swap3A_33 : vector<16xf32> to vector<16xf32>
      %swap3A_35 = vector.shape_cast %mul3A_32 : vector<16xf32> to vector<16xf32>
      tpu.vector_store %arg14[%swap3A], %swap3A_35 {strides = array<i32>} : memref<10240xf32, #tpu.memory_space<vmem>>, vector<16xf32>,
      %gather3A_36 = tpu.vector_load_idx %arg13[%get3A_30] : memref<10240xf32, #tpu.memory_space<vmem>>[vector<16xi32>], vector<16xf32>,
      %swap3A_37 = arith.index_cast %multiple_of3A : i32 to index
      %swap3A_38 = tpu.vector_load %arg15[%swap3A_37] {strides = array<i32>} : memref<10240xf32, #tpu.memory_space<vmem>>, vector<16xf32>,
      %swap3A_39 = vector.shape_cast %swap3A_38 : vector<16xf32> to vector<16xf32>
      %swap3A_40 = vector.shape_cast %gather3A_36 : vector<16xf32> to vector<16xf32>
      tpu.vector_store %arg15[%swap3A_37], %swap3A_40 {strides = array<i32>} : memref<10240xf32, #tpu.memory_space<vmem>>, vector<16xf32>,
    }
    %scan3A_15 = arith.constant 640 : i32
    %scan3A_16 = arith.constant 0 : i32
    %scan3A_17 = arith.constant 0 : i32
    %scan3A_18 = arith.constant 80 : i32
    %scan3A_19 = arith.addi %scan3A_17, %scan3A_18 : i32
    %scan3A_20 = arith.constant 1 : i32
    scf.for %scan3A_25 = %scan3A_17 to %scan3A_19 step %scan3A_20  : i32 {
      %mul3A_26 = arith.constant 128 : i32
      %mul3A_27 = arith.muli %scan3A_25, %mul3A_26 : i32
      %multiple_of3A = tpu.assume_multiple %mul3A_27, 128 : i32
      "tpu.region"() ({
        %run_scoped3A = tpu.sem_alloc : memref<!tpu.dma_semaphore, #tpu.memory_space<semaphore_mem>>
        %dma_start3A = tpu.memref_slice %arg14[%multiple_of3A] : memref<10240xf32, #tpu.memory_space<vmem>> -> memref<128xf32, #tpu.memory_space<vmem>>
        %dma_start3A_28 = arith.constant 0 : i32
        %dma_start3A_29 = tpu.memref_slice %arg9[%scan3A_25, %dma_start3A_28] : memref<80x128xi32, #tpu.memory_space<vmem>> -> memref<1x128xi32, #tpu.memory_space<vmem>>
        %dma_start3A_30 = tpu.memref_squeeze %dma_start3A_29 : memref<1x128xi32, #tpu.memory_space<vmem>> -> memref<128xi32, #tpu.memory_space<vmem>>
        %dma_start3A_31 = arith.constant 0 : i32
        %dma_start3A_32 = tpu.memref_slice %arg17[%dma_start3A_31] : memref<10240xf32, #tpu.memory_space<vmem_shared>> -> memref<10240xf32, #tpu.memory_space<vmem_shared>>
        tpu.enqueue_indirect_dma source(%dma_start3A : memref<128xf32, #tpu.memory_space<vmem>>) target(%dma_start3A_32 : memref<10240xf32, #tpu.memory_space<vmem_shared>>) offsets(%dma_start3A_30 : memref<128xi32, #tpu.memory_space<vmem>>) semaphore(%run_scoped3A : memref<!tpu.dma_semaphore, #tpu.memory_space<semaphore_mem>>) {add = true}
        %dma_wait3A = tpu.memref_slice %arg14[%multiple_of3A] : memref<10240xf32, #tpu.memory_space<vmem>> -> memref<128xf32, #tpu.memory_space<vmem>>
        %dma_wait3A_33 = arith.constant 0 : i32
        %dma_wait3A_34 = tpu.memref_slice %arg9[%scan3A_25, %dma_wait3A_33] : memref<80x128xi32, #tpu.memory_space<vmem>> -> memref<1x128xi32, #tpu.memory_space<vmem>>
        %dma_wait3A_35 = tpu.memref_squeeze %dma_wait3A_34 : memref<1x128xi32, #tpu.memory_space<vmem>> -> memref<128xi32, #tpu.memory_space<vmem>>
        %dma_wait3A_36 = arith.constant 0 : i32
        %dma_wait3A_37 = tpu.memref_slice %arg17[%dma_wait3A_36] : memref<10240xf32, #tpu.memory_space<vmem_shared>> -> memref<10240xf32, #tpu.memory_space<vmem_shared>>
        tpu.wait_indirect_dma semaphore(%run_scoped3A : memref<!tpu.dma_semaphore, #tpu.memory_space<semaphore_mem>>) src(%dma_wait3A : memref<128xf32, #tpu.memory_space<vmem>>) dst(%dma_wait3A_37 : memref<10240xf32, #tpu.memory_space<vmem_shared>>)
        tpu.yield
      }) : () -> ()
      "tpu.region"() ({
        %run_scoped3A = tpu.sem_alloc : memref<!tpu.dma_semaphore, #tpu.memory_space<semaphore_mem>>
        %dma_start3A = tpu.memref_slice %arg15[%multiple_of3A] : memref<10240xf32, #tpu.memory_space<vmem>> -> memref<128xf32, #tpu.memory_space<vmem>>
        %dma_start3A_28 = arith.constant 0 : i32
        %dma_start3A_29 = tpu.memref_slice %arg9[%scan3A_25, %dma_start3A_28] : memref<80x128xi32, #tpu.memory_space<vmem>> -> memref<1x128xi32, #tpu.memory_space<vmem>>
        %dma_start3A_30 = tpu.memref_squeeze %dma_start3A_29 : memref<1x128xi32, #tpu.memory_space<vmem>> -> memref<128xi32, #tpu.memory_space<vmem>>
        %dma_start3A_31 = arith.constant 0 : i32
        %dma_start3A_32 = tpu.memref_slice %arg18[%dma_start3A_31] : memref<10240xf32, #tpu.memory_space<vmem_shared>> -> memref<10240xf32, #tpu.memory_space<vmem_shared>>
        tpu.enqueue_indirect_dma source(%dma_start3A : memref<128xf32, #tpu.memory_space<vmem>>) target(%dma_start3A_32 : memref<10240xf32, #tpu.memory_space<vmem_shared>>) offsets(%dma_start3A_30 : memref<128xi32, #tpu.memory_space<vmem>>) semaphore(%run_scoped3A : memref<!tpu.dma_semaphore, #tpu.memory_space<semaphore_mem>>) {add = true}
        %dma_wait3A = tpu.memref_slice %arg15[%multiple_of3A] : memref<10240xf32, #tpu.memory_space<vmem>> -> memref<128xf32, #tpu.memory_space<vmem>>
        %dma_wait3A_33 = arith.constant 0 : i32
        %dma_wait3A_34 = tpu.memref_slice %arg9[%scan3A_25, %dma_wait3A_33] : memref<80x128xi32, #tpu.memory_space<vmem>> -> memref<1x128xi32, #tpu.memory_space<vmem>>
        %dma_wait3A_35 = tpu.memref_squeeze %dma_wait3A_34 : memref<1x128xi32, #tpu.memory_space<vmem>> -> memref<128xi32, #tpu.memory_space<vmem>>
        %dma_wait3A_36 = arith.constant 0 : i32
        %dma_wait3A_37 = tpu.memref_slice %arg18[%dma_wait3A_36] : memref<10240xf32, #tpu.memory_space<vmem_shared>> -> memref<10240xf32, #tpu.memory_space<vmem_shared>>
        tpu.wait_indirect_dma semaphore(%run_scoped3A : memref<!tpu.dma_semaphore, #tpu.memory_space<semaphore_mem>>) src(%dma_wait3A : memref<128xf32, #tpu.memory_space<vmem>>) dst(%dma_wait3A_37 : memref<10240xf32, #tpu.memory_space<vmem_shared>>)
        tpu.yield
      }) : () -> ()
    }
    %scan3A_21 = arith.constant 80 : i32
    %barrier3A_22 = arith.constant 0 : index
    tpu.barrier barrier_id(%barrier3A_22)
    %mul3A_23 = arith.constant 640 : i32
    %mul3A_24 = arith.muli %arg1, %mul3A_23 : i32
    "tpu.region"() ({
      %run_scoped3A = tpu.sem_alloc : memref<!tpu.dma_semaphore, #tpu.memory_space<semaphore_mem>>
      %dma_start3A = tpu.memref_slice %arg17[%mul3A_24] : memref<10240xf32, #tpu.memory_space<vmem_shared>> -> memref<640xf32, #tpu.memory_space<vmem_shared>>
      %dma_start3A_25 = tpu.memref_slice %arg17[%mul3A_24] : memref<10240xf32, #tpu.memory_space<vmem_shared>> -> memref<640xf32, #tpu.memory_space<vmem_shared>>
      tpu.enqueue_dma source(%dma_start3A_25 : memref<640xf32, #tpu.memory_space<vmem_shared>>) target(%arg16 : memref<640xf32, #tpu.memory_space<vmem>>) target_semaphore(%run_scoped3A : memref<!tpu.dma_semaphore, #tpu.memory_space<semaphore_mem>>)
      %dma_wait3A = tpu.memref_slice %arg17[%mul3A_24] : memref<10240xf32, #tpu.memory_space<vmem_shared>> -> memref<640xf32, #tpu.memory_space<vmem_shared>>
      %dma_wait3A_26 = tpu.memref_slice %arg17[%mul3A_24] : memref<10240xf32, #tpu.memory_space<vmem_shared>> -> memref<640xf32, #tpu.memory_space<vmem_shared>>
      tpu.wait_dma2 semaphore(%run_scoped3A : memref<!tpu.dma_semaphore, #tpu.memory_space<semaphore_mem>>) src(%dma_wait3A_26 : memref<640xf32, #tpu.memory_space<vmem_shared>>) dst(%arg16 : memref<640xf32, #tpu.memory_space<vmem>>)
      tpu.yield
    }) : () -> ()
    "tpu.region"() ({
      %run_scoped3A = tpu.sem_alloc : memref<!tpu.dma_semaphore, #tpu.memory_space<semaphore_mem>>
      %dma_start3A = tpu.memref_slice %arg7[%arg0, %mul3A_24] : memref<2x10240xf32, #tpu.memory_space<hbm>> -> memref<1x640xf32, #tpu.memory_space<hbm>>
      %dma_start3A_25 = tpu.memref_squeeze %dma_start3A : memref<1x640xf32, #tpu.memory_space<hbm>> -> memref<640xf32, #tpu.memory_space<hbm>>
      %dma_start3A_26 = tpu.memref_slice %arg7[%arg0, %mul3A_24] : memref<2x10240xf32, #tpu.memory_space<hbm>> -> memref<1x640xf32, #tpu.memory_space<hbm>>
      %dma_start3A_27 = tpu.memref_squeeze %dma_start3A_26 : memref<1x640xf32, #tpu.memory_space<hbm>> -> memref<640xf32, #tpu.memory_space<hbm>>
      tpu.enqueue_dma source(%arg16 : memref<640xf32, #tpu.memory_space<vmem>>) target(%dma_start3A_27 : memref<640xf32, #tpu.memory_space<hbm>>) target_semaphore(%run_scoped3A : memref<!tpu.dma_semaphore, #tpu.memory_space<semaphore_mem>>)
      %dma_wait3A = tpu.memref_slice %arg7[%arg0, %mul3A_24] : memref<2x10240xf32, #tpu.memory_space<hbm>> -> memref<1x640xf32, #tpu.memory_space<hbm>>
      %dma_wait3A_28 = tpu.memref_squeeze %dma_wait3A : memref<1x640xf32, #tpu.memory_space<hbm>> -> memref<640xf32, #tpu.memory_space<hbm>>
      %dma_wait3A_29 = tpu.memref_slice %arg7[%arg0, %mul3A_24] : memref<2x10240xf32, #tpu.memory_space<hbm>> -> memref<1x640xf32, #tpu.memory_space<hbm>>
      %dma_wait3A_30 = tpu.memref_squeeze %dma_wait3A_29 : memref<1x640xf32, #tpu.memory_space<hbm>> -> memref<640xf32, #tpu.memory_space<hbm>>
      tpu.wait_dma2 semaphore(%run_scoped3A : memref<!tpu.dma_semaphore, #tpu.memory_space<semaphore_mem>>) src(%arg16 : memref<640xf32, #tpu.memory_space<vmem>>) dst(%dma_wait3A_30 : memref<640xf32, #tpu.memory_space<hbm>>)
      tpu.yield
    }) : () -> ()
    "tpu.region"() ({
      %run_scoped3A = tpu.sem_alloc : memref<!tpu.dma_semaphore, #tpu.memory_space<semaphore_mem>>
      %dma_start3A = tpu.memref_slice %arg18[%mul3A_24] : memref<10240xf32, #tpu.memory_space<vmem_shared>> -> memref<640xf32, #tpu.memory_space<vmem_shared>>
      %dma_start3A_25 = tpu.memref_slice %arg18[%mul3A_24] : memref<10240xf32, #tpu.memory_space<vmem_shared>> -> memref<640xf32, #tpu.memory_space<vmem_shared>>
      tpu.enqueue_dma source(%dma_start3A_25 : memref<640xf32, #tpu.memory_space<vmem_shared>>) target(%arg16 : memref<640xf32, #tpu.memory_space<vmem>>) target_semaphore(%run_scoped3A : memref<!tpu.dma_semaphore, #tpu.memory_space<semaphore_mem>>)
      %dma_wait3A = tpu.memref_slice %arg18[%mul3A_24] : memref<10240xf32, #tpu.memory_space<vmem_shared>> -> memref<640xf32, #tpu.memory_space<vmem_shared>>
      %dma_wait3A_26 = tpu.memref_slice %arg18[%mul3A_24] : memref<10240xf32, #tpu.memory_space<vmem_shared>> -> memref<640xf32, #tpu.memory_space<vmem_shared>>
      tpu.wait_dma2 semaphore(%run_scoped3A : memref<!tpu.dma_semaphore, #tpu.memory_space<semaphore_mem>>) src(%dma_wait3A_26 : memref<640xf32, #tpu.memory_space<vmem_shared>>) dst(%arg16 : memref<640xf32, #tpu.memory_space<vmem>>)
      tpu.yield
    }) : () -> ()
    "tpu.region"() ({
      %run_scoped3A = tpu.sem_alloc : memref<!tpu.dma_semaphore, #tpu.memory_space<semaphore_mem>>
      %dma_start3A = tpu.memref_slice %arg8[%arg0, %mul3A_24] : memref<2x10240xf32, #tpu.memory_space<hbm>> -> memref<1x640xf32, #tpu.memory_space<hbm>>
      %dma_start3A_25 = tpu.memref_squeeze %dma_start3A : memref<1x640xf32, #tpu.memory_space<hbm>> -> memref<640xf32, #tpu.memory_space<hbm>>
      %dma_start3A_26 = tpu.memref_slice %arg8[%arg0, %mul3A_24] : memref<2x10240xf32, #tpu.memory_space<hbm>> -> memref<1x640xf32, #tpu.memory_space<hbm>>
      %dma_start3A_27 = tpu.memref_squeeze %dma_start3A_26 : memref<1x640xf32, #tpu.memory_space<hbm>> -> memref<640xf32, #tpu.memory_space<hbm>>
      tpu.enqueue_dma source(%arg16 : memref<640xf32, #tpu.memory_space<vmem>>) target(%dma_start3A_27 : memref<640xf32, #tpu.memory_space<hbm>>) target_semaphore(%run_scoped3A : memref<!tpu.dma_semaphore, #tpu.memory_space<semaphore_mem>>)
      %dma_wait3A = tpu.memref_slice %arg8[%arg0, %mul3A_24] : memref<2x10240xf32, #tpu.memory_space<hbm>> -> memref<1x640xf32, #tpu.memory_space<hbm>>
      %dma_wait3A_28 = tpu.memref_squeeze %dma_wait3A : memref<1x640xf32, #tpu.memory_space<hbm>> -> memref<640xf32, #tpu.memory_space<hbm>>
      %dma_wait3A_29 = tpu.memref_slice %arg8[%arg0, %mul3A_24] : memref<2x10240xf32, #tpu.memory_space<hbm>> -> memref<1x640xf32, #tpu.memory_space<hbm>>
      %dma_wait3A_30 = tpu.memref_squeeze %dma_wait3A_29 : memref<1x640xf32, #tpu.memory_space<hbm>> -> memref<640xf32, #tpu.memory_space<hbm>>
      tpu.wait_dma2 semaphore(%run_scoped3A : memref<!tpu.dma_semaphore, #tpu.memory_space<semaphore_mem>>) src(%arg16 : memref<640xf32, #tpu.memory_space<vmem>>) dst(%dma_wait3A_30 : memref<640xf32, #tpu.memory_space<hbm>>)
      tpu.yield
    }) : () -> ()
    return
  }
}

#map = affine_map<(d0, d1) -> (0, 0, 0)>
#map1 = affine_map<(d0, d1) -> (0, 0)>
module attributes {stable_mosaic.version = 14 : i64} {
  func.func @_deg_body(%arg0: i32, %arg1: i32, %arg2: memref<32x80x128xi32, #tpu.memory_space<hbm>>, %arg3: memref<2x10240xf32, #tpu.memory_space<hbm>>, %arg4: memref<80x128xi32, #tpu.memory_space<vmem>>, %arg5: memref<10240xf32, #tpu.memory_space<vmem>>, %arg6: memref<640xf32, #tpu.memory_space<vmem>>, %arg7: memref<10240xf32, #tpu.memory_space<vmem_shared>>, %arg8: memref<!tpu.dma_semaphore, #tpu.memory_space<semaphore_mem>>) attributes {dimension_semantics = [#tpu.dimension_semantics<core_parallel>, #tpu.dimension_semantics<subcore_parallel>], iteration_bounds = array<i64: 2, 16>, scalar_prefetch = 0 : i64, scratch_operands = 5 : i64, tpu.core_type = #tpu.core_type<sc_vector_subcore>, window_params = [{transform_indices = #map}, {transform_indices = #map1}]} {
    %mul3A = arith.constant 2 : i32
    %mul3A_0 = arith.muli %arg1, %mul3A : i32
    %add3A = arith.addi %mul3A_0, %arg0 : i32
    "tpu.region"() ({
      %run_scoped3A = tpu.sem_alloc : memref<!tpu.dma_semaphore, #tpu.memory_space<semaphore_mem>>
      %dma_start3A = arith.constant 0 : i32
      %dma_start3A_25 = arith.constant 0 : i32
      %dma_start3A_26 = tpu.memref_slice %arg2[%add3A, %dma_start3A, %dma_start3A_25] : memref<32x80x128xi32, #tpu.memory_space<hbm>> -> memref<1x80x128xi32, #tpu.memory_space<hbm>>
      %dma_start3A_27 = tpu.memref_squeeze %dma_start3A_26 : memref<1x80x128xi32, #tpu.memory_space<hbm>> -> memref<80x128xi32, #tpu.memory_space<hbm>>
      %dma_start3A_28 = arith.constant 0 : i32
      %dma_start3A_29 = arith.constant 0 : i32
      %dma_start3A_30 = tpu.memref_slice %arg2[%add3A, %dma_start3A_28, %dma_start3A_29] : memref<32x80x128xi32, #tpu.memory_space<hbm>> -> memref<1x80x128xi32, #tpu.memory_space<hbm>>
      %dma_start3A_31 = tpu.memref_squeeze %dma_start3A_30 : memref<1x80x128xi32, #tpu.memory_space<hbm>> -> memref<80x128xi32, #tpu.memory_space<hbm>>
      tpu.enqueue_dma source(%dma_start3A_31 : memref<80x128xi32, #tpu.memory_space<hbm>>) target(%arg4 : memref<80x128xi32, #tpu.memory_space<vmem>>) target_semaphore(%run_scoped3A : memref<!tpu.dma_semaphore, #tpu.memory_space<semaphore_mem>>)
      %dma_wait3A = arith.constant 0 : i32
      %dma_wait3A_32 = arith.constant 0 : i32
      %dma_wait3A_33 = tpu.memref_slice %arg2[%add3A, %dma_wait3A, %dma_wait3A_32] : memref<32x80x128xi32, #tpu.memory_space<hbm>> -> memref<1x80x128xi32, #tpu.memory_space<hbm>>
      %dma_wait3A_34 = tpu.memref_squeeze %dma_wait3A_33 : memref<1x80x128xi32, #tpu.memory_space<hbm>> -> memref<80x128xi32, #tpu.memory_space<hbm>>
      %dma_wait3A_35 = arith.constant 0 : i32
      %dma_wait3A_36 = arith.constant 0 : i32
      %dma_wait3A_37 = tpu.memref_slice %arg2[%add3A, %dma_wait3A_35, %dma_wait3A_36] : memref<32x80x128xi32, #tpu.memory_space<hbm>> -> memref<1x80x128xi32, #tpu.memory_space<hbm>>
      %dma_wait3A_38 = tpu.memref_squeeze %dma_wait3A_37 : memref<1x80x128xi32, #tpu.memory_space<hbm>> -> memref<80x128xi32, #tpu.memory_space<hbm>>
      tpu.wait_dma2 semaphore(%run_scoped3A : memref<!tpu.dma_semaphore, #tpu.memory_space<semaphore_mem>>) src(%dma_wait3A_38 : memref<80x128xi32, #tpu.memory_space<hbm>>) dst(%arg4 : memref<80x128xi32, #tpu.memory_space<vmem>>)
      tpu.yield
    }) : () -> ()
    %scan3A = arith.constant 0 : i32
    %scan3A_1 = arith.constant 0 : i32
    %scan3A_2 = arith.constant 640 : i32
    %scan3A_3 = arith.addi %scan3A_1, %scan3A_2 : i32
    %scan3A_4 = arith.constant 1 : i32
    scf.for %scan3A_25 = %scan3A_1 to %scan3A_3 step %scan3A_4  : i32 {
      %broadcast_in_dim3A = arith.constant 1.000000e+00 : f32
      %broadcast_in_dim3A_26 = vector.broadcast %broadcast_in_dim3A : f32 to vector<16xf32>
      %mul3A_27 = arith.constant 16 : i32
      %mul3A_28 = arith.muli %scan3A_25, %mul3A_27 : i32
      %multiple_of3A = tpu.assume_multiple %mul3A_28, 16 : i32
      %swap3A = arith.index_cast %multiple_of3A : i32 to index
      %swap3A_29 = tpu.vector_load %arg5[%swap3A] {strides = array<i32>} : memref<10240xf32, #tpu.memory_space<vmem>>, vector<16xf32>,
      %swap3A_30 = vector.shape_cast %swap3A_29 : vector<16xf32> to vector<16xf32>
      %swap3A_31 = vector.shape_cast %broadcast_in_dim3A_26 : vector<16xf32> to vector<16xf32>
      tpu.vector_store %arg5[%swap3A], %swap3A_31 {strides = array<i32>} : memref<10240xf32, #tpu.memory_space<vmem>>, vector<16xf32>,
    }
    %scan3A_5 = arith.constant 640 : i32
    %scan3A_6 = arith.constant 0 : i32
    %scan3A_7 = arith.constant 0 : i32
    %scan3A_8 = arith.constant 40 : i32
    %scan3A_9 = arith.addi %scan3A_7, %scan3A_8 : i32
    %scan3A_10 = arith.constant 1 : i32
    scf.for %scan3A_25 = %scan3A_7 to %scan3A_9 step %scan3A_10  : i32 {
      %broadcast_in_dim3A = arith.constant 0.000000e+00 : f32
      %broadcast_in_dim3A_26 = vector.broadcast %broadcast_in_dim3A : f32 to vector<16xf32>
      %mul3A_27 = arith.constant 16 : i32
      %mul3A_28 = arith.muli %scan3A_25, %mul3A_27 : i32
      %multiple_of3A = tpu.assume_multiple %mul3A_28, 16 : i32
      %swap3A = arith.index_cast %multiple_of3A : i32 to index
      %swap3A_29 = tpu.vector_load %arg6[%swap3A] {strides = array<i32>} : memref<640xf32, #tpu.memory_space<vmem>>, vector<16xf32>,
      %swap3A_30 = vector.shape_cast %swap3A_29 : vector<16xf32> to vector<16xf32>
      %swap3A_31 = vector.shape_cast %broadcast_in_dim3A_26 : vector<16xf32> to vector<16xf32>
      tpu.vector_store %arg6[%swap3A], %swap3A_31 {strides = array<i32>} : memref<640xf32, #tpu.memory_space<vmem>>, vector<16xf32>,
    }
    %scan3A_11 = arith.constant 40 : i32
    %mul3A_12 = arith.constant 640 : i32
    %mul3A_13 = arith.muli %arg1, %mul3A_12 : i32
    "tpu.region"() ({
      %run_scoped3A = tpu.sem_alloc : memref<!tpu.dma_semaphore, #tpu.memory_space<semaphore_mem>>
      %dma_start3A = tpu.memref_slice %arg7[%mul3A_13] : memref<10240xf32, #tpu.memory_space<vmem_shared>> -> memref<640xf32, #tpu.memory_space<vmem_shared>>
      %dma_start3A_25 = tpu.memref_slice %arg7[%mul3A_13] : memref<10240xf32, #tpu.memory_space<vmem_shared>> -> memref<640xf32, #tpu.memory_space<vmem_shared>>
      tpu.enqueue_dma source(%arg6 : memref<640xf32, #tpu.memory_space<vmem>>) target(%dma_start3A_25 : memref<640xf32, #tpu.memory_space<vmem_shared>>) target_semaphore(%run_scoped3A : memref<!tpu.dma_semaphore, #tpu.memory_space<semaphore_mem>>)
      %dma_wait3A = tpu.memref_slice %arg7[%mul3A_13] : memref<10240xf32, #tpu.memory_space<vmem_shared>> -> memref<640xf32, #tpu.memory_space<vmem_shared>>
      %dma_wait3A_26 = tpu.memref_slice %arg7[%mul3A_13] : memref<10240xf32, #tpu.memory_space<vmem_shared>> -> memref<640xf32, #tpu.memory_space<vmem_shared>>
      tpu.wait_dma2 semaphore(%run_scoped3A : memref<!tpu.dma_semaphore, #tpu.memory_space<semaphore_mem>>) src(%arg6 : memref<640xf32, #tpu.memory_space<vmem>>) dst(%dma_wait3A_26 : memref<640xf32, #tpu.memory_space<vmem_shared>>)
      tpu.yield
    }) : () -> ()
    %barrier3A = arith.constant 0 : index
    tpu.barrier barrier_id(%barrier3A)
    %scan3A_14 = arith.constant 0 : i32
    %scan3A_15 = arith.constant 0 : i32
    %scan3A_16 = arith.constant 80 : i32
    %scan3A_17 = arith.addi %scan3A_15, %scan3A_16 : i32
    %scan3A_18 = arith.constant 1 : i32
    scf.for %scan3A_25 = %scan3A_15 to %scan3A_17 step %scan3A_18  : i32 {
      %mul3A_26 = arith.constant 128 : i32
      %mul3A_27 = arith.muli %scan3A_25, %mul3A_26 : i32
      %multiple_of3A = tpu.assume_multiple %mul3A_27, 128 : i32
      "tpu.region"() ({
        %run_scoped3A = tpu.sem_alloc : memref<!tpu.dma_semaphore, #tpu.memory_space<semaphore_mem>>
        %dma_start3A = tpu.memref_slice %arg5[%multiple_of3A] : memref<10240xf32, #tpu.memory_space<vmem>> -> memref<128xf32, #tpu.memory_space<vmem>>
        %dma_start3A_28 = arith.constant 0 : i32
        %dma_start3A_29 = tpu.memref_slice %arg4[%scan3A_25, %dma_start3A_28] : memref<80x128xi32, #tpu.memory_space<vmem>> -> memref<1x128xi32, #tpu.memory_space<vmem>>
        %dma_start3A_30 = tpu.memref_squeeze %dma_start3A_29 : memref<1x128xi32, #tpu.memory_space<vmem>> -> memref<128xi32, #tpu.memory_space<vmem>>
        %dma_start3A_31 = arith.constant 0 : i32
        %dma_start3A_32 = tpu.memref_slice %arg7[%dma_start3A_31] : memref<10240xf32, #tpu.memory_space<vmem_shared>> -> memref<10240xf32, #tpu.memory_space<vmem_shared>>
        tpu.enqueue_indirect_dma source(%dma_start3A : memref<128xf32, #tpu.memory_space<vmem>>) target(%dma_start3A_32 : memref<10240xf32, #tpu.memory_space<vmem_shared>>) offsets(%dma_start3A_30 : memref<128xi32, #tpu.memory_space<vmem>>) semaphore(%run_scoped3A : memref<!tpu.dma_semaphore, #tpu.memory_space<semaphore_mem>>) {add = true}
        %dma_wait3A = tpu.memref_slice %arg5[%multiple_of3A] : memref<10240xf32, #tpu.memory_space<vmem>> -> memref<128xf32, #tpu.memory_space<vmem>>
        %dma_wait3A_33 = arith.constant 0 : i32
        %dma_wait3A_34 = tpu.memref_slice %arg4[%scan3A_25, %dma_wait3A_33] : memref<80x128xi32, #tpu.memory_space<vmem>> -> memref<1x128xi32, #tpu.memory_space<vmem>>
        %dma_wait3A_35 = tpu.memref_squeeze %dma_wait3A_34 : memref<1x128xi32, #tpu.memory_space<vmem>> -> memref<128xi32, #tpu.memory_space<vmem>>
        %dma_wait3A_36 = arith.constant 0 : i32
        %dma_wait3A_37 = tpu.memref_slice %arg7[%dma_wait3A_36] : memref<10240xf32, #tpu.memory_space<vmem_shared>> -> memref<10240xf32, #tpu.memory_space<vmem_shared>>
        tpu.wait_indirect_dma semaphore(%run_scoped3A : memref<!tpu.dma_semaphore, #tpu.memory_space<semaphore_mem>>) src(%dma_wait3A : memref<128xf32, #tpu.memory_space<vmem>>) dst(%dma_wait3A_37 : memref<10240xf32, #tpu.memory_space<vmem_shared>>)
        tpu.yield
      }) : () -> ()
    }
    %scan3A_19 = arith.constant 80 : i32
    %barrier3A_20 = arith.constant 0 : index
    tpu.barrier barrier_id(%barrier3A_20)
    %mul3A_21 = arith.constant 640 : i32
    %mul3A_22 = arith.muli %arg1, %mul3A_21 : i32
    "tpu.region"() ({
      %run_scoped3A = tpu.sem_alloc : memref<!tpu.dma_semaphore, #tpu.memory_space<semaphore_mem>>
      %dma_start3A = tpu.memref_slice %arg7[%mul3A_22] : memref<10240xf32, #tpu.memory_space<vmem_shared>> -> memref<640xf32, #tpu.memory_space<vmem_shared>>
      %dma_start3A_25 = tpu.memref_slice %arg7[%mul3A_22] : memref<10240xf32, #tpu.memory_space<vmem_shared>> -> memref<640xf32, #tpu.memory_space<vmem_shared>>
      tpu.enqueue_dma source(%dma_start3A_25 : memref<640xf32, #tpu.memory_space<vmem_shared>>) target(%arg6 : memref<640xf32, #tpu.memory_space<vmem>>) target_semaphore(%run_scoped3A : memref<!tpu.dma_semaphore, #tpu.memory_space<semaphore_mem>>)
      %dma_wait3A = tpu.memref_slice %arg7[%mul3A_22] : memref<10240xf32, #tpu.memory_space<vmem_shared>> -> memref<640xf32, #tpu.memory_space<vmem_shared>>
      %dma_wait3A_26 = tpu.memref_slice %arg7[%mul3A_22] : memref<10240xf32, #tpu.memory_space<vmem_shared>> -> memref<640xf32, #tpu.memory_space<vmem_shared>>
      tpu.wait_dma2 semaphore(%run_scoped3A : memref<!tpu.dma_semaphore, #tpu.memory_space<semaphore_mem>>) src(%dma_wait3A_26 : memref<640xf32, #tpu.memory_space<vmem_shared>>) dst(%arg6 : memref<640xf32, #tpu.memory_space<vmem>>)
      tpu.yield
    }) : () -> ()
    %mul3A_23 = arith.constant 640 : i32
    %mul3A_24 = arith.muli %arg1, %mul3A_23 : i32
    "tpu.region"() ({
      %run_scoped3A = tpu.sem_alloc : memref<!tpu.dma_semaphore, #tpu.memory_space<semaphore_mem>>
      %dma_start3A = tpu.memref_slice %arg3[%arg0, %mul3A_24] : memref<2x10240xf32, #tpu.memory_space<hbm>> -> memref<1x640xf32, #tpu.memory_space<hbm>>
      %dma_start3A_25 = tpu.memref_squeeze %dma_start3A : memref<1x640xf32, #tpu.memory_space<hbm>> -> memref<640xf32, #tpu.memory_space<hbm>>
      %dma_start3A_26 = tpu.memref_slice %arg3[%arg0, %mul3A_24] : memref<2x10240xf32, #tpu.memory_space<hbm>> -> memref<1x640xf32, #tpu.memory_space<hbm>>
      %dma_start3A_27 = tpu.memref_squeeze %dma_start3A_26 : memref<1x640xf32, #tpu.memory_space<hbm>> -> memref<640xf32, #tpu.memory_space<hbm>>
      tpu.enqueue_dma source(%arg6 : memref<640xf32, #tpu.memory_space<vmem>>) target(%dma_start3A_27 : memref<640xf32, #tpu.memory_space<hbm>>) target_semaphore(%run_scoped3A : memref<!tpu.dma_semaphore, #tpu.memory_space<semaphore_mem>>)
      %dma_wait3A = tpu.memref_slice %arg3[%arg0, %mul3A_24] : memref<2x10240xf32, #tpu.memory_space<hbm>> -> memref<1x640xf32, #tpu.memory_space<hbm>>
      %dma_wait3A_28 = tpu.memref_squeeze %dma_wait3A : memref<1x640xf32, #tpu.memory_space<hbm>> -> memref<640xf32, #tpu.memory_space<hbm>>
      %dma_wait3A_29 = tpu.memref_slice %arg3[%arg0, %mul3A_24] : memref<2x10240xf32, #tpu.memory_space<hbm>> -> memref<1x640xf32, #tpu.memory_space<hbm>>
      %dma_wait3A_30 = tpu.memref_squeeze %dma_wait3A_29 : memref<1x640xf32, #tpu.memory_space<hbm>> -> memref<640xf32, #tpu.memory_space<hbm>>
      tpu.wait_dma2 semaphore(%run_scoped3A : memref<!tpu.dma_semaphore, #tpu.memory_space<semaphore_mem>>) src(%arg6 : memref<640xf32, #tpu.memory_space<vmem>>) dst(%dma_wait3A_30 : memref<640xf32, #tpu.memory_space<hbm>>)
      tpu.yield
    }) : () -> ()
    return
  }
}

module attributes {stable_mosaic.version = 14 : i64} {
  func.func @_hv_body(%arg0: i32, %arg1: memref<1024x128xf32, #tpu.memory_space<vmem>>, %arg2: memref<8x128xf32, #tpu.memory_space<vmem>>, %arg3: memref<8x1024xf32, #tpu.memory_space<vmem>>) attributes {dimension_semantics = [#tpu.dimension_semantics<arbitrary>], iteration_bounds = array<i64: 10>, scalar_prefetch = 0 : i64, scratch_operands = 0 : i64, tpu.core_type = #tpu.core_type<tc>, window_params = [{transform_indices = @transform_0, window_bounds = array<i64: 1024, 128>}, {pipeline_mode = #tpu.pipeline_mode<synchronous>, transform_indices = @transform_1, window_bounds = array<i64: 8, 128>}, {transform_indices = @transform_2, window_bounds = array<i64: 8, 1024>}]} {
    %get3A = arith.constant 0 : index
    %get3A_0 = arith.constant 0 : index
    %get3A_1 = vector.load %arg2[%get3A, %get3A_0] : memref<8x128xf32, #tpu.memory_space<vmem>>, vector<8x128xf32>
    %get3A_2 = arith.constant 0 : index
    %get3A_3 = arith.constant 0 : index
    %get3A_4 = vector.load %arg1[%get3A_2, %get3A_3] : memref<1024x128xf32, #tpu.memory_space<vmem>>, vector<1024x128xf32>
    %dot_general3A = arith.constant dense<0.000000e+00> : vector<8x1024xf32>
    %dot_general3A_5 = tpu.matmul %get3A_1, %get3A_4, %dot_general3A {dimension_numbers = #tpu.dot_dimension_numbers<[1], [1], [0], [0], [0, 0, 1, 0], [], []>, transpose_lhs_hint = false} : vector<8x128xf32>, vector<1024x128xf32>, vector<8x1024xf32> -> vector<8x1024xf32>
    %swap3A = arith.constant 0 : index
    %swap3A_6 = arith.constant 0 : index
    %swap3A_7 = vector.load %arg3[%swap3A, %swap3A_6] : memref<8x1024xf32, #tpu.memory_space<vmem>>, vector<8x1024xf32>
    tpu.vector_store %arg3[%swap3A, %swap3A_6], %dot_general3A_5 {strides = array<i32>} : memref<8x1024xf32, #tpu.memory_space<vmem>>, vector<8x1024xf32>,
    return
  }
  func.func @transform_0(%arg0: i32) -> (i32, i32) {
    %c0_i32 = arith.constant 0 : i32
    %c0_i32_0 = arith.constant 0 : i32
    return %arg0, %c0_i32 : i32, i32
  }
  func.func @transform_1(%arg0: i32) -> (i32, i32) {
    %c0_i32 = arith.constant 0 : i32
    %c0_i32_0 = arith.constant 0 : i32
    %c0_i32_1 = arith.constant 0 : i32
    return %c0_i32, %c0_i32_0 : i32, i32
  }
  func.func @transform_2(%arg0: i32) -> (i32, i32) {
    %c0_i32 = arith.constant 0 : i32
    %c0_i32_0 = arith.constant 0 : i32
    return %c0_i32, %arg0 : i32, i32
  }
}

module attributes {stable_mosaic.version = 14 : i64} {
  func.func @_dense_body(%arg0: i32, %arg1: memref<256x128xf32, #tpu.memory_space<vmem>>, %arg2: memref<1024x128xf32, #tpu.memory_space<vmem>>, %arg3: memref<1x128xf32, #tpu.memory_space<vmem>>, %arg4: memref<1x128xf32, #tpu.memory_space<vmem>>, %arg5: memref<128x1xf32, #tpu.memory_space<vmem>>, %arg6: memref<1x1024xf32, #tpu.memory_space<vmem>>, %arg7: memref<1x1024xf32, #tpu.memory_space<vmem>>, %arg8: memref<256x1xf32, #tpu.memory_space<vmem>>, %arg9: memref<256x1xf32, #tpu.memory_space<vmem>>, %arg10: memref<256x1024xf32, #tpu.memory_space<vmem>>, %arg11: memref<256x1xf32, #tpu.memory_space<vmem>>) attributes {dimension_semantics = [#tpu.dimension_semantics<arbitrary>], iteration_bounds = array<i64: 10>, scalar_prefetch = 0 : i64, scratch_operands = 0 : i64, tpu.core_type = #tpu.core_type<tc>, window_params = [{pipeline_mode = #tpu.pipeline_mode<synchronous>, transform_indices = @transform_0, window_bounds = array<i64: 256, 128>}, {transform_indices = @transform_1, window_bounds = array<i64: 1024, 128>}, {pipeline_mode = #tpu.pipeline_mode<synchronous>, transform_indices = @transform_2, window_bounds = array<i64: 1, 128>}, {pipeline_mode = #tpu.pipeline_mode<synchronous>, transform_indices = @transform_3, window_bounds = array<i64: 1, 128>}, {pipeline_mode = #tpu.pipeline_mode<synchronous>, transform_indices = @transform_4, window_bounds = array<i64: 128, 1>}, {transform_indices = @transform_5, window_bounds = array<i64: 1, 1024>}, {transform_indices = @transform_6, window_bounds = array<i64: 1, 1024>}, {pipeline_mode = #tpu.pipeline_mode<synchronous>, transform_indices = @transform_7, window_bounds = array<i64: 256, 1>}, {pipeline_mode = #tpu.pipeline_mode<synchronous>, transform_indices = @transform_8, window_bounds = array<i64: 256, 1>}, {transform_indices = @transform_9, window_bounds = array<i64: 256, 1024>}, {pipeline_mode = #tpu.pipeline_mode<synchronous>, transform_indices = @transform_10, window_bounds = array<i64: 256, 1>}]} {
    %get3A = arith.constant 0 : index
    %get3A_0 = arith.constant 0 : index
    %get3A_1 = vector.load %arg1[%get3A, %get3A_0] : memref<256x128xf32, #tpu.memory_space<vmem>>, vector<256x128xf32>
    %get3A_2 = arith.constant 0 : index
    %get3A_3 = arith.constant 0 : index
    %get3A_4 = vector.load %arg3[%get3A_2, %get3A_3] : memref<1x128xf32, #tpu.memory_space<vmem>>, vector<1x128xf32>
    %mul3A = vector.broadcast %get3A_4 : vector<1x128xf32> to vector<256x128xf32>
    %mul3A_5 = arith.mulf %get3A_1, %mul3A : vector<256x128xf32>
    %mul3A_6 = arith.mulf %mul3A_5, %mul3A_5 : vector<256x128xf32>
    %reduce_sum3A = arith.constant dense<0.000000e+00> : vector<256xf32>
    %reduce_sum3A_7 = vector.multi_reduction <add>, %mul3A_6, %reduce_sum3A [1] : vector<256x128xf32> to vector<256xf32>
    %broadcast_in_dim3A = vector.shape_cast %reduce_sum3A_7 : vector<256xf32> to vector<256x1xf32>
    %sqrt3A = math.sqrt %broadcast_in_dim3A : vector<256x1xf32>
    %max3A = arith.constant 9.99999997E-7 : f32
    %max3A_8 = vector.broadcast %max3A : f32 to vector<256x1xf32>
    %max3A_9 = arith.maximumf %sqrt3A, %max3A_8 : vector<256x1xf32>
    %get3A_10 = arith.constant 0 : index
    %get3A_11 = arith.constant 0 : index
    %get3A_12 = vector.load %arg4[%get3A_10, %get3A_11] : memref<1x128xf32, #tpu.memory_space<vmem>>, vector<1x128xf32>
    %mul3A_13 = vector.broadcast %get3A_12 : vector<1x128xf32> to vector<256x128xf32>
    %mul3A_14 = arith.mulf %get3A_1, %mul3A_13 : vector<256x128xf32>
    %mul3A_15 = arith.mulf %mul3A_14, %mul3A_14 : vector<256x128xf32>
    %reduce_sum3A_16 = arith.constant dense<0.000000e+00> : vector<256xf32>
    %reduce_sum3A_17 = vector.multi_reduction <add>, %mul3A_15, %reduce_sum3A_16 [1] : vector<256x128xf32> to vector<256xf32>
    %broadcast_in_dim3A_18 = vector.shape_cast %reduce_sum3A_17 : vector<256xf32> to vector<256x1xf32>
    %sqrt3A_19 = math.sqrt %broadcast_in_dim3A_18 : vector<256x1xf32>
    %max3A_20 = arith.constant 9.99999997E-7 : f32
    %max3A_21 = vector.broadcast %max3A_20 : f32 to vector<256x1xf32>
    %max3A_22 = arith.maximumf %sqrt3A_19, %max3A_21 : vector<256x1xf32>
    %mul3A_23 = arith.mulf %mul3A_5, %mul3A_14 : vector<256x128xf32>
    %reduce_sum3A_24 = arith.constant dense<0.000000e+00> : vector<256xf32>
    %reduce_sum3A_25 = vector.multi_reduction <add>, %mul3A_23, %reduce_sum3A_24 [1] : vector<256x128xf32> to vector<256xf32>
    %broadcast_in_dim3A_26 = vector.shape_cast %reduce_sum3A_25 : vector<256xf32> to vector<256x1xf32>
    %mul3A_27 = arith.mulf %max3A_9, %max3A_22 : vector<256x1xf32>
    %div3A = arith.divf %broadcast_in_dim3A_26, %mul3A_27 : vector<256x1xf32>
    %mul3A_28 = arith.constant 5.000000e-01 : f32
    %mul3A_29 = vector.broadcast %mul3A_28 : f32 to vector<256x1xf32>
    %mul3A_30 = arith.mulf %mul3A_29, %div3A : vector<256x1xf32>
    %get3A_31 = arith.constant 0 : index
    %get3A_32 = arith.constant 0 : index
    %get3A_33 = vector.load %arg8[%get3A_31, %get3A_32] : memref<256x1xf32, #tpu.memory_space<vmem>>, vector<256x1xf32>
    %mul3A_34 = arith.constant 5.000000e-01 : f32
    %mul3A_35 = vector.broadcast %mul3A_34 : f32 to vector<256x1xf32>
    %mul3A_36 = arith.mulf %mul3A_35, %get3A_33 : vector<256x1xf32>
    %add3A = arith.addf %mul3A_30, %mul3A_36 : vector<256x1xf32>
    %get3A_37 = arith.constant 0 : index
    %get3A_38 = arith.constant 0 : index
    %get3A_39 = vector.load %arg9[%get3A_37, %get3A_38] : memref<256x1xf32, #tpu.memory_space<vmem>>, vector<256x1xf32>
    %mul3A_40 = arith.mulf %add3A, %get3A_39 : vector<256x1xf32>
    %get3A_41 = arith.constant 0 : index
    %get3A_42 = arith.constant 0 : index
    %get3A_43 = vector.load %arg2[%get3A_41, %get3A_42] : memref<1024x128xf32, #tpu.memory_space<vmem>>, vector<1024x128xf32>
    %get3A_44 = arith.constant 0 : index
    %get3A_45 = arith.constant 0 : index
    %get3A_46 = vector.load %arg4[%get3A_44, %get3A_45] : memref<1x128xf32, #tpu.memory_space<vmem>>, vector<1x128xf32>
    %mul3A_47 = vector.broadcast %get3A_46 : vector<1x128xf32> to vector<1024x128xf32>
    %mul3A_48 = arith.mulf %get3A_43, %mul3A_47 : vector<1024x128xf32>
    %mul3A_49 = arith.mulf %mul3A_48, %mul3A_48 : vector<1024x128xf32>
    %reduce_sum3A_50 = arith.constant dense<0.000000e+00> : vector<1024xf32>
    %reduce_sum3A_51 = vector.multi_reduction <add>, %mul3A_49, %reduce_sum3A_50 [1] : vector<1024x128xf32> to vector<1024xf32>
    %broadcast_in_dim3A_52 = vector.shape_cast %reduce_sum3A_51 : vector<1024xf32> to vector<1024x1xf32>
    %sqrt3A_53 = math.sqrt %broadcast_in_dim3A_52 : vector<1024x1xf32>
    %max3A_54 = arith.constant 9.99999997E-7 : f32
    %max3A_55 = vector.broadcast %max3A_54 : f32 to vector<1024x1xf32>
    %max3A_56 = arith.maximumf %sqrt3A_53, %max3A_55 : vector<1024x1xf32>
    %dot_general3A = arith.constant dense<0.000000e+00> : vector<256x1024xf32>
    %dot_general3A_57 = tpu.matmul %mul3A_5, %mul3A_48, %dot_general3A {dimension_numbers = #tpu.dot_dimension_numbers<[1], [1], [0], [0], [0, 0, 1, 0], [], []>, transpose_lhs_hint = false} : vector<256x128xf32>, vector<1024x128xf32>, vector<256x1024xf32> -> vector<256x1024xf32>
    %transpose3A = tpu.transpose %max3A_56, [1, 0] : vector<1024x1xf32> -> vector<1x1024xf32>
    %mul3A_58 = vector.broadcast %max3A_9 : vector<256x1xf32> to vector<256x1024xf32>
    %mul3A_59 = vector.broadcast %transpose3A : vector<1x1024xf32> to vector<256x1024xf32>
    %mul3A_60 = arith.mulf %mul3A_58, %mul3A_59 : vector<256x1024xf32>
    %div3A_61 = arith.divf %dot_general3A_57, %mul3A_60 : vector<256x1024xf32>
    %mul3A_62 = arith.constant 5.000000e-01 : f32
    %mul3A_63 = vector.broadcast %mul3A_62 : f32 to vector<256x1024xf32>
    %mul3A_64 = arith.mulf %mul3A_63, %div3A_61 : vector<256x1024xf32>
    %get3A_65 = arith.constant 0 : index
    %get3A_66 = arith.constant 0 : index
    %get3A_67 = vector.load %arg7[%get3A_65, %get3A_66] : memref<1x1024xf32, #tpu.memory_space<vmem>>, vector<1x1024xf32>
    %mul3A_68 = arith.constant 5.000000e-01 : f32
    %mul3A_69 = vector.broadcast %mul3A_68 : f32 to vector<1x1024xf32>
    %mul3A_70 = arith.mulf %mul3A_69, %get3A_67 : vector<1x1024xf32>
    %add3A_71 = vector.broadcast %mul3A_70 : vector<1x1024xf32> to vector<256x1024xf32>
    %add3A_72 = arith.addf %mul3A_64, %add3A_71 : vector<256x1024xf32>
    %get3A_73 = arith.constant 0 : index
    %get3A_74 = arith.constant 0 : index
    %get3A_75 = vector.load %arg6[%get3A_73, %get3A_74] : memref<1x1024xf32, #tpu.memory_space<vmem>>, vector<1x1024xf32>
    %mul3A_76 = vector.broadcast %get3A_75 : vector<1x1024xf32> to vector<256x1024xf32>
    %mul3A_77 = arith.mulf %add3A_72, %mul3A_76 : vector<256x1024xf32>
    %add3A_78 = arith.constant 1.000000e-07 : f32
    %add3A_79 = vector.broadcast %add3A_78 : f32 to vector<256x1xf32>
    %add3A_80 = arith.addf %mul3A_40, %add3A_79 : vector<256x1xf32>
    %div3A_81 = vector.broadcast %add3A_80 : vector<256x1xf32> to vector<256x1024xf32>
    %div3A_82 = arith.divf %mul3A_77, %div3A_81 : vector<256x1024xf32>
    %add3A_83 = arith.constant 1.000000e+00 : f32
    %add3A_84 = vector.broadcast %add3A_83 : f32 to vector<256x1024xf32>
    %add3A_85 = arith.addf %div3A_82, %add3A_84 : vector<256x1024xf32>
    %jit3A = arith.constant 0.00999999977 : f32
    %jit3A_86 = arith.constant 1.000000e+00 : f32
    %max3A_87 = vector.broadcast %jit3A : f32 to vector<256x1024xf32>
    %max3A_88 = arith.maximumf %max3A_87, %add3A_85 : vector<256x1024xf32>
    %min3A = vector.broadcast %jit3A_86 : f32 to vector<256x1024xf32>
    %min3A_89 = arith.minimumf %min3A, %max3A_88 : vector<256x1024xf32>
    %mul3A_90 = arith.constant 1024 : i32
    %mul3A_91 = arith.muli %arg0, %mul3A_90 : i32
    %iota3A = tpu.iota {dimensions = array<i32: 1>} : vector<1x1024xi32>
    %add3A_92 = vector.broadcast %mul3A_91 : i32 to vector<1x1024xi32>
    %add3A_93 = arith.addi %add3A_92, %iota3A : vector<1x1024xi32>
    %lt3A = arith.constant 10000 : i32
    %lt3A_94 = vector.broadcast %lt3A : i32 to vector<1x1024xi32>
    %lt3A_95 = arith.cmpi slt, %add3A_93, %lt3A_94 : vector<1x1024xi32>
    %jit3A_96 = arith.constant -1.000000e+00 : f32
    %broadcast_in_dim3A_97 = vector.shape_cast %lt3A_95 : vector<1x1024xi1> to vector<1x1024xi1>
    %broadcast_in_dim3A_98 = vector.broadcast %broadcast_in_dim3A_97 : vector<1x1024xi1> to vector<256x1024xi1>
    %broadcast_in_dim3A_99 = vector.broadcast %jit3A_96 : f32 to vector<256x1024xf32>
    %select_n3A = arith.select %broadcast_in_dim3A_98, %min3A_89, %broadcast_in_dim3A_99 : vector<256x1024xi1>, vector<256x1024xf32>
    %swap3A = arith.constant 0 : index
    %swap3A_100 = arith.constant 0 : index
    %swap3A_101 = vector.load %arg10[%swap3A, %swap3A_100] : memref<256x1024xf32, #tpu.memory_space<vmem>>, vector<256x1024xf32>
    tpu.vector_store %arg10[%swap3A, %swap3A_100], %select_n3A {strides = array<i32>} : memref<256x1024xf32, #tpu.memory_space<vmem>>, vector<256x1024xf32>,
    %get3A_102 = arith.constant 0 : index
    %get3A_103 = arith.constant 0 : index
    %get3A_104 = vector.load %arg5[%get3A_102, %get3A_103] : memref<128x1xf32, #tpu.memory_space<vmem>>, vector<128x1xf32>
    %dot_general3A_105 = arith.constant dense<0.000000e+00> : vector<256x1xf32>
    %dot_general3A_106 = tpu.matmul %get3A_1, %get3A_104, %dot_general3A_105 {dimension_numbers = #tpu.dot_dimension_numbers<[1], [0], [0], [1], [0, 0, 1, 1], [], []>, transpose_lhs_hint = false} : vector<256x128xf32>, vector<128x1xf32>, vector<256x1xf32> -> vector<256x1xf32>
    %swap3A_107 = arith.constant 0 : index
    %swap3A_108 = arith.constant 0 : index
    %swap3A_109 = vector.load %arg11[%swap3A_107, %swap3A_108] : memref<256x1xf32, #tpu.memory_space<vmem>>, vector<256x1xf32>
    tpu.vector_store %arg11[%swap3A_107, %swap3A_108], %dot_general3A_106 {strides = array<i32>} : memref<256x1xf32, #tpu.memory_space<vmem>>, vector<256x1xf32>,
    return
  }
  func.func @transform_0(%arg0: i32) -> (i32, i32) {
    %c0_i32 = arith.constant 0 : i32
    %c0_i32_0 = arith.constant 0 : i32
    %c0_i32_1 = arith.constant 0 : i32
    return %c0_i32, %c0_i32_0 : i32, i32
  }
  func.func @transform_1(%arg0: i32) -> (i32, i32) {
    %c0_i32 = arith.constant 0 : i32
    %c0_i32_0 = arith.constant 0 : i32
    return %arg0, %c0_i32 : i32, i32
  }
  func.func @transform_2(%arg0: i32) -> (i32, i32) {
    %c0_i32 = arith.constant 0 : i32
    %c0_i32_0 = arith.constant 0 : i32
    %c0_i32_1 = arith.constant 0 : i32
    return %c0_i32, %c0_i32_0 : i32, i32
  }
  func.func @transform_3(%arg0: i32) -> (i32, i32) {
    %c0_i32 = arith.constant 0 : i32
    %c0_i32_0 = arith.constant 0 : i32
    %c0_i32_1 = arith.constant 0 : i32
    return %c0_i32, %c0_i32_0 : i32, i32
  }
  func.func @transform_4(%arg0: i32) -> (i32, i32) {
    %c0_i32 = arith.constant 0 : i32
    %c0_i32_0 = arith.constant 0 : i32
    %c0_i32_1 = arith.constant 0 : i32
    return %c0_i32, %c0_i32_0 : i32, i32
  }
  func.func @transform_5(%arg0: i32) -> (i32, i32) {
    %c0_i32 = arith.constant 0 : i32
    %c0_i32_0 = arith.constant 0 : i32
    return %c0_i32, %arg0 : i32, i32
  }
  func.func @transform_6(%arg0: i32) -> (i32, i32) {
    %c0_i32 = arith.constant 0 : i32
    %c0_i32_0 = arith.constant 0 : i32
    return %c0_i32, %arg0 : i32, i32
  }
  func.func @transform_7(%arg0: i32) -> (i32, i32) {
    %c0_i32 = arith.constant 0 : i32
    %c0_i32_0 = arith.constant 0 : i32
    %c0_i32_1 = arith.constant 0 : i32
    return %c0_i32, %c0_i32_0 : i32, i32
  }
  func.func @transform_8(%arg0: i32) -> (i32, i32) {
    %c0_i32 = arith.constant 0 : i32
    %c0_i32_0 = arith.constant 0 : i32
    %c0_i32_1 = arith.constant 0 : i32
    return %c0_i32, %c0_i32_0 : i32, i32
  }
  func.func @transform_9(%arg0: i32) -> (i32, i32) {
    %c0_i32 = arith.constant 0 : i32
    %c0_i32_0 = arith.constant 0 : i32
    return %c0_i32, %arg0 : i32, i32
  }
  func.func @transform_10(%arg0: i32) -> (i32, i32) {
    %c0_i32 = arith.constant 0 : i32
    %c0_i32_0 = arith.constant 0 : i32
    %c0_i32_1 = arith.constant 0 : i32
    return %c0_i32, %c0_i32_0 : i32, i32
  }
}

</mosaic_0001>

<sc_bundles>
// kernel: gather_offload_async_start
scs
__scs_entry_jumppad:
0x0: {  	(pc) =	sbr.rel $0x88, $3  }
0x1: {  	(tag) =	ssettag $0x0;
	lr =	simm.s32 $0x1  }
0x2: {  	[smem:$0x3F99] =	sst lr;
	_ =	strace $0xD0000000  }
0x3: {  	_ = 	snop  }
0x4: {  	_ = 	snop  }
0x5: {  	_ = 	snop  }
0x6: {  	_ = 	snop  }
0x7: {  	_ = 	snop  }
__scs_overlays_trampoline_lowered:
0x8: {  	[smem:$0x3FA8] =	sst s0  }
0x9: {  	[smem:$0x3FA9] =	sst s1  }
0xa: {  	[smem:$0x3FAA] =	sst s2  }
0xb: {  	[smem:$0x3FAB] =	sst s3  }
0xc: {  	[smem:$0x3FAC] =	sst s4  }
0xd: {  	[smem:$0x3FAD] =	sst s5  }
0xe: {  	[smem:$0x3FAE] =	sst s6  }
0xf: {  	[smem:$0x3FAF] =	sst s7  }
0x10: {  	[smem:$0x3FB0] =	sst s8  }
0x11: {  	[smem:$0x3FB1] =	sst s9;
	s0 =	simm.s32 @!p0 $0x0  }
0x12: {  	s1 =	sld [smem:$0x3F97];
	s0 =	simm.s32 @p0 $0x1  }
0x13: {  	[smem:$0x3FB2] =	sst s0;
	s0 =	simm.s32 @!p1 $0x0  }
0x14: {  	s2 =	sld [smem:$0x3F96];
	s0 =	simm.s32 @p1 $0x1  }
0x15: {  	[smem:$0x3FB3] =	sst s0;
	s0 =	simm.s32 @!p2 $0x0  }
0x16: {  	s3 =	sld [smem:$0x3FDB];
	s0 =	simm.s32 @p2 $0x1  }
0x17: {  	s4 =	simm.s32 $0x1BF5;
	[smem:$0x3FB5] =	sst s0  }
0x18: {  	s0 =	sld [smem:$0x3F98];
	_ =	swait.ge [sflag:s4], $0x0  }
0x19: {  	s7 =	sld [smem:$0x3F99]  }
0x1a: {  	s8 =	sadd.s32 $0xFFFFE003, lr  }
0x1b: {  	s9 =	sadd.s32 $0xFFFFFEF7, lr;
	s5 =	simm.s32 $0xFFFFFFFF;
	p2 =	slt.u32 s8, $0xFFFFF086  }
0x1c: {  	p1 =	slt.u32 s9, $0xF7A;
	s5 =	simm.s32 @!p2 $0x0  }
0x1d: {  	s5 =	simm.s32 @p1 $0x1;
	p0 =	seq.s32 s7, s2  }
0x1e: {  	s7 =	smul.u32 @!p0 $0xF7A, s2;
	p2 =	seq.s32 @!p0 s5, $0x0  }
0x1f: {  	s9 =	smul.u32 $0xF7A, s1;
	s8 =	simm.s32 @!p0 $0x1BF5;
	p2 =	por !p2, p0  }
0x20: {  	[sflag:s8] =	ssyncset.s32 @!p0 $0xFFFFF086;
	s6 =	sadd.s32 @!p0 s3, s7;
	s7 =	simm.s32 @!p0 $0x108  }
0x21: {  	s3 =	sadd.s32 s3, s9;
	s6 =	sadd.s32 @!p0 $0x88, s6;
	s7 =	simm.s32 @p2 $0x1082  }
0x22: {  	[simem:s7], [sflag:s8] =	dma.local @!p0 [hbm:s6], $0xF7A  }
0x23: {  	s9 =	sor.u32 $0xD0000000, s2;
	s6 =	simm.s32 $0x108;
	_ =	swait.ge @!p0 [sflag:s8], $0x0  }
0x24: {  	s3 =	sadd.s32 $0x88, s3;
	s6 =	simm.s32 @!p1 $0x1082;
	[sflag:s4] =	ssyncset.s32 $0xFFFFF086  }
0x25: {  	[simem:s6], [sflag:s4] =	dma.local [hbm:s3], $0xF7A  }
0x26: {  	[smem:$0x3F99] =	sst s1;
	(tag) =	ssettag s2;
	_ =	strace s9  }
0x27: {  	s1 =	sld [smem:$0x3FA9]  }
0x28: {  	s2 =	sld [smem:$0x3FAA]  }
0x29: {  	s4 =	sld [smem:$0x3FAC]  }
0x2a: {  	p0 =	seq.s32 s5, $0x0;
	s5 =	sld [smem:$0x3FAD]  }
0x2b: {  	s6 =	sld [smem:$0x3FAE]  }
0x2c: {  	s7 =	sld [smem:$0x3FAF]  }
0x2d: {  	s3 =	simm.s32 $0x108;
	s8 =	sld [smem:$0x3FB0]  }
0x2e: {  	s3 =	simm.s32 @!p0 $0x1082;
	s9 =	sld [smem:$0x3FB1]  }
0x2f: {  	lr =	sadd.s32 s0, s3;
	s0 =	sld [smem:$0x3FA8]  }
0x30: {  	s3 =	sld [smem:$0x3FAB]  }
0x31: {  	[smem:$0x3FB4] =	sst s10  }
0x32: {  	s10 =	sld [smem:$0x3FB2];
	_ =	sdelay $0x3  }
0x33: {  	p0 =	seq.s32 s10, $0x1;
	s10 =	sld [smem:$0x3FB4];
	_ =	sdelay $0x3  }
0x34: {  	[smem:$0x3FB4] =	sst s10  }
0x35: {  	s10 =	sld [smem:$0x3FB3];
	_ =	sdelay $0x3  }
0x36: {  	p1 =	seq.s32 s10, $0x1;
	s10 =	sld [smem:$0x3FB4];
	_ =	sdelay $0x3  }
0x37: {  	[smem:$0x3FB4] =	sst s10  }
0x38: {  	s10 =	sld [smem:$0x3FB5]  }
0x39: {  	_ = 	snop;
	(pc) =	sbr.ind lr, $3  }
0x3a: {  	_ = 	snop  }
0x3b: {  	_ = 	snop  }
0x3c: {  	p2 =	seq.s32 s10, $0x1;
	s10 =	sld [smem:$0x3FB4]  }
0x3d: {  	_ =	shalt  }
0x3e: {  	_ =	shalt  }
0x3f: {  	_ =	shalt  }
0x40: {  	_ =	shalt  }
0x41: {  	_ =	shalt  }
0x42: {  	_ =	shalt  }
0x43: {  	_ =	shalt  }
0x44: {  	_ =	shalt  }
0x45: {  	_ =	shalt  }
0x46: {  	_ =	shalt  }
0x47: {  	_ =	shalt  }
0x48: {  	_ =	shalt  }
0x49: {  	_ =	shalt  }
0x4a: {  	_ =	shalt  }
0x4b: {  	_ =	shalt  }
0x4c: {  	_ =	shalt  }
0x4d: {  	_ =	shalt  }
0x4e: {  	_ =	shalt  }
0x4f: {  	_ =	shalt  }
0x50: {  	_ =	shalt  }
0x51: {  	_ =	shalt  }
0x52: {  	_ =	shalt  }
0x53: {  	_ =	shalt  }
0x54: {  	_ =	shalt  }
0x55: {  	_ =	shalt  }
0x56: {  	_ =	shalt  }
0x57: {  	_ =	shalt  }
0x58: {  	_ =	shalt  }
0x59: {  	_ =	shalt  }
0x5a: {  	_ =	shalt  }
0x5b: {  	_ =	shalt  }
0x5c: {  	_ =	shalt  }
0x5d: {  	_ =	shalt  }
0x5e: {  	_ =	shalt  }
0x5f: {  	_ =	shalt  }
0x60: {  	_ =	shalt  }
0x61: {  	_ =	shalt  }
0x62: {  	_ =	shalt  }
0x63: {  	_ =	shalt  }
0x64: {  	_ =	shalt  }
0x65: {  	_ =	shalt  }
0x66: {  	_ =	shalt  }
0x67: {  	_ =	shalt  }
0x68: {  	_ =	shalt  }
0x69: {  	_ =	shalt  }
0x6a: {  	_ =	shalt  }
0x6b: {  	_ =	shalt  }
0x6c: {  	_ =	shalt  }
0x6d: {  	_ =	shalt  }
0x6e: {  	_ =	shalt  }
0x6f: {  	_ =	shalt  }
0x70: {  	_ =	shalt  }
0x71: {  	_ =	shalt  }
0x72: {  	_ =	shalt  }
0x73: {  	_ =	shalt  }
0x74: {  	_ =	shalt  }
0x75: {  	_ =	shalt  }
0x76: {  	_ =	shalt  }
0x77: {  	_ =	shalt  }
0x78: {  	_ =	shalt  }
0x79: {  	_ =	shalt  }
0x7a: {  	_ =	shalt  }
0x7b: {  	_ =	shalt  }
0x7c: {  	_ =	shalt  }
0x7d: {  	_ =	shalt  }
0x7e: {  	_ =	shalt  }
0x7f: {  	_ =	shalt  }
0x80: {  	_ =	shalt  }
0x81: {  	_ =	shalt  }
0x82: {  	_ =	shalt  }
0x83: {  	_ =	shalt  }
0x84: {  	_ =	shalt  }
0x85: {  	_ =	shalt  }
0x86: {  	_ =	shalt  }
0x87: {  	_ =	shalt  }
.Lfunc_end0:
.L_simem_size_0:
called_computation_lowered:
.L_overlay_start_0:
0x88: {  	s2 =	sld [smem:$0x3FD9]  }
0x89: {  	s3 =	sld [smem:$0x3FFE];
	_ =	sdelay $0x1  }
0x8a: {  	s1 =	srdreg.scid  }
0x8b: {  	s0 =	sand.u32 $0x1, s1  }
0x8c: {  	s14 =	sshll.u32 s0, $0xA;
	s2 =	sadd.s32 s3, s2  }
0x8d: {  	s2 =	sadd.s32 s2, s14  }
0x8e: {  	[smem:$0x3FC0] =	sst s2  }
0x8f: {  	_ = 	snop  }
0x90: {  	s2 =	sld [smem:$0x3FD0];
	_ =	sdelay $0x2  }
0x91: {  	s15 =	simm.s32 $0xA;
	s4 =	simm.s32 $0x10  }
0x92: {  	[smem:s4], [sflag:s15] =	dma.local [hbm:s2], $0x1  }
0x93: {  	_ =	swait.eq [sflag:s15], $0x1  }
0x94: {  	[sflag:s15] =	ssyncset.done $0x0  }
0x95: {  	[sflag:s15] =	ssyncadd.s32 $0xFFFFFFFF  }
0x96: {  	s16 =	sld [smem:$0x11];
	(tm) =	ssettm $0x1  }
0x97: {  	s17 =	sld [smem:$0x3FFB];
	_ =	sdelay $0x3  }
0x98: {  	_ =	strace s17  }
0x99: {  	s3 =	sld [smem:$0x3FFC];
	_ =	sdelay $0x3  }
0x9a: {  	_ =	strace s3  }
0x9b: {  	s3 =	sld [smem:$0x3FFD];
	_ =	sdelay $0x3  }
0x9c: {  	_ =	strace s3  }
0x9d: {  	_ =	strace $0x8FFFFFFF  }
0x9e: {  	s18 =	sld [smem:$0x3FDB];
	_ =	sdelay $0x1  }
0x9f: {  	s19 =	simm.s32 $_scs_section_size  }
0xa0: {  	s5 =	simm.s32 $_size__tile_overlayer_lowered;
	s6 =	simm.s32 $_tile_overlayer_lowered  }
0xa1: {  	s22 =	simm.s32 $0x1BFF;
	s21 =	sshll.u32 s6, $0x1;
	s3 =	sadd.s32 s19, s18  }
0xa2: {  	s7 =	simm.s32 $0x0;
	s20 =	sshll.u32 s5, $0x1;
	s5 =	sadd.s32 s21, s3  }
0xa3: {  	[timem:s7], [sflag:s22] =	dma.local [hbm:s5], s20  }
0xa4: {  	_ =	swait.ge [sflag:s22], s20  }
0xa5: {  	s4 =	ssub.s32 $0x0, s20;
	[sflag:s22] =	ssyncset.done $0x0  }
0xa6: {  	[sflag:s22] =	ssyncadd.s32 s4;
	_ =	sdelay $0x1  }
0xa7: {  	s23 =	simm.s32 $0x1B8B  }
0xa8: {  	_ =	swait.ge [sflag:s23], $0x1  }
0xa9: {  	[sflag:s23] =	ssyncset.done $0x0  }
0xaa: {  	s25 =	simm.s32 $0x1B8E;
	s24 =	sld [smem:$0x3FFE];
	[sflag:s23] =	ssyncadd.s32 $0xFFFFFFFF  }
0xab: {  	s26 =	simm.s32 $execute0_lowered;
	[smem:$0x3FD2] =	sst s25  }
0xac: {  	s5 =	sshll.u32 s26, $0x1;
	_ =	strace $0x8000004C;
	[dreg:$0x1] =	wrdreg $0xFFFFFFFF  }
0xad: {  	s28 =	simm.s32 $_size_execute0_lowered;
	s3 =	sadd.s32 s3, s5;
	[dreg:$0x0] =	wrdreg $0x0  }
0xae: {  	s5 =	sshll.u32 s28, $0x1;
	[dreg:$0x2] =	wrdreg s3  }
0xaf: {  	[dreg:$0x3] =	wrdreg s5  }
0xb0: {  	[dreg:$0x4] =	wrdreg $0xC0  }
0xb1: {  	_ =	task [dreg:s7], $0x5FFFF  }
0xb2: {  	[dreg:$0x1] =	wrdreg $0xFFFFFFFF  }
0xb3: {  	[dreg:$0x0] =	wrdreg $0x60  }
0xb4: {  	[dreg:$0x2] =	wrdreg s24  }
0xb5: {  	[dreg:$0x3] =	wrdreg s16  }
0xb6: {  	[dreg:$0x4] =	wrdreg $0x9  }
0xb7: {  	_ =	task.clear_ibuf [dreg:s7], $0x5FFFF;
	_ =	strace $0x9000004C  }
0xb8: {  	s29 =	simm.s32 $0x9;
	_ =	strace $0x8000004E  }
0xb9: {  	_ =	swait.ge [sflag:s29], $0x1  }
0xba: {  	[sflag:s29] =	ssyncadd.s32 $0xFFFFFFFF  }
0xbb: {  	_ =	strace $0x9000004E  }
0xbc: {  	_ =	sfence  }
0xbd: {  	s30 =	sld [smem:$0x0];
	_ =	sdelay $0x2  }
0xbe: {  	s31 =	sshll.u32 s1, $0xD;
	s1 =	sshrl.u32 s1, $0x2  }
0xbf: {  	s3 =	sand.u32 $0x4000, s31;
	s1 =	sadd.s32 s1, s30  }
0xc0: {  	s0 =	sor.u32 s3, s0;
	s1 =	sshll.u32 s1, $0x11  }
0xc1: {  	s0 =	sor.u32 s1, s0  }
0xc2: {  	s0 =	sadd.s32 $0x8F2B, s0  }
0xc3: {  	[sflag:s0] =	ssyncadd.remote.s32 $0x1  }
0xc4: {  	_ =	sfence.sel $0xFFFF  }
0xc5: {  	[dreg:$0x0] =	wrdreg $0xFFFFFFFF;
	(pc) =	sbr.abs _section_cstart, $3  }
0xc6: {  	[dreg:$0x1] =	wrdreg $0xFFFFFFFF  }
0xc7: {  	_ =	task.clear_ibuf [dreg:s7], $0x2FFFF;
	_ =	strace $0x9FFFFFFF  }
0xc8: {  	(tm) =	ssettm $0x7FFFFFFF  }
0xc9: {  	_ =	shalt  }
tec
execute0_lowered:
.L_overlay_start_1:
0x0: {  	(tag) =	ssettag $0x1  }
0x1: {  	s8 =	rddreg [dreg:$0x0];
	s0 =	stileid.u32  }
0x2: {  	s1 =	srdreg.scid;
	s2 =	rddreg [dreg:$0x1]  }
0x3: {  	s5 =	simm.s32 $0x1;
	s9 =	simm.s32 $0x1;
	s10 =	simm.s32 $0x3  }
0x4: {  	s13 =	simm.s32 $0x0;
	s3 =	sand.u32 $0x1, s1;
	s4 =	sshll.u32 s0, $0x1  }
0x5: {  	s12 =	simm.s32 $0x0;
	s1 =	rddreg [dreg:$0x2];
	s6 =	sor.u32 s4, s3  }
0x6: {  	_ =	strace $0x8000004D;
	s3 =	sadd.s32 $0x21000, s8;
	s4 =	smul.u32 $0x500, s6  }
0x7: {  	[sflag:s5] =	ssyncpa.u1 $0x0;
	p0 =	slt.u32 s6, $0x9;
	s6 =	simm.s32 $0xA000  }
.Ltmp0:
0x8: {  	s6 =	simm.s32 @!p0 $0x0;
	s7 =	ssub.s32 $0xC800, s4;
	(pc) =	sbr.rel .LBB2_1-.Ltmp0, $4  }
0x9: {  	s9 =	simm.s32 @!p0 $0x0;
	p0 =	sne.s32 s7, s6;
	s7 =	simm.s32 $0x1  }
0xa: {  	s8 =	sadd.s32 $0x41000, s8;
	s6 =	simm.s32 $0x2;
	s7 =	simm.s32 @!p0 $0x0  }
0xb: {  	s11 =	smov.u32 s4;
	[sflag:s6] =	ssyncpa.u1 $0x0;
	s7 =	sadd.s32 s9, s7  }
0xc: {  	vm0 =	vmmov $0xffff;
	[sflag:s10] =	ssyncpa.u1 $0x0;
	s10 =	simm.s32 $0x0;
	s9 =	sadd.s32 $0x1, s7  }
.LBB2_4:
0xd: {  	vm1 =	veq.s32 v0, $0x80000000;
	v63 =	vand.u32 $0xFF, v0;
	v2 =	vand.u32 $0xFFF, v2  }
0xe: {  	v0 =	vsel vm1, $0xFFFFFFFF, v63;
	v2 =	vsel vm1, $0xFFFFFFFF, v2  }
0xf: {  	v3 =	vshll.u32 v0, $0xC;
	v4 =	vshll.u32 v2, $0x3  }
0x10: {  	v0 =	vshll.u32 v0, $0x7;
	v3 =	vand.u32 $0xFFFF8000, v3;
	v4 =	vand.u32 $0xFFFFFC00, v4  }
0x11: {  	v0 =	vand.u32 $0x380, v0;
	v3 =	vadd.s32 v3, v4  }
0x12: {  	v2 =	vand.u32 $0x7F, v2;
	v0 =	vor.u32 v0, v3  }
0x13: {  	v0 =	vor.u32 v2, v0;
	_ =	sdelay $0x1  }
0x14: {  	(ifvalue) =	ssetifvalue $0x7FFFFFFF;
	s15 =	sadd.s32 $0x10, s15  }
0x15: {  	[tilespmem:s15], [sflag:$0x1] =	stream.indirect_vreg.gather [hbm4b:s3+s10], $0x1, v1, vm0, $0x4038;
	[tilespmem:$0x1400] =	vst v63  }
0x16: {  	(ifvalue) =	ssetifvalue $0x7FFFFFFF;
	s15 =	sadd.s32 $0x10, s15  }
0x17: {  	[tilespmem:s15], [sflag:$0x1] =	stream.indirect_vreg.gather [hbm4b:s3+s10], $0x1, v0, vm0, $0x4038;
	[tilespmem:$0x1400] =	vst v63  }
0x18: {  	_ =	swait.ge [sflag:s5], $0x500  }
0x19: {  	s30 =	sshrl.u32 s13, $0x3;
	[sflag:s5] =	ssyncset.done $0x0  }
0x1a: {  	s31 =	sand.u32 $0x7, s13;
	s15 =	sadd.s32 s8, s30;
	[sflag:s5] =	ssyncadd.s32 $0xFFFFFB00  }
0x1b: {  	[hbm4b:s15+s31] =	stream.linear.scatter [tilespmem:s14], [sflag:$0x3], $0x500, $0x38;
	[tilespmem:$0x1400] =	vst v63  }
.LBB2_5:
0x1c: {  	s15 =	sadd.s32 $0xA000, s11  }
0x1d: {  	p1 =	sgt.s32 s15, $0xC7FF  }
0x1e: {  	s15 =	smov.u32 @p1 s4;
	p1 =	sne.s32 s12, s9  }
.Ltmp1:
0x1f: {  	p0 =	slt.u32 s12, $0x2;
	(pc) =	sbr.rel @!p1 .LBB2_6-.Ltmp1, $4  }
0x20: {  	s14 =	simm.s32 @!p0 $0x3  }
0x21: {  	_ =	swait.ge @!p0 [sflag:s14], $0x500  }
0x22: {  	s16 =	sadd.s32 $0x1, s12;
	s13 =	smov.u32 s11;
	[sflag:s14] =	ssyncset.done @!p0 $0x0  }
0x23: {  	s12 =	smov.u32 s16;
	s11 =	smov.u32 s15;
	[sflag:s14] =	ssyncadd.s32 @!p0 $0xFFFFFB00  }
.LBB2_1:
0x24: {  	p0 =	sge.u32 s12, s7  }
0x25: {  	s14 =	sxor.u32 @!p0 $0x1, s12  }
0x26: {  	s14 =	smul.u32 @!p0 $0x1400, s14  }
0x27: {  	s31 =	sadd.s32 $0xFFFFFFFF, s12;
	s15 =	sshrl.u32 @!p0 s11, $0x3  }
0x28: {  	s16 =	sand.u32 @!p0 $0x7, s11;
	s15 =	sadd.s32 @!p0 s2, s15;
	s14 =	sshra.s32 @!p0 s14, $0x2  }
0x29: {  	[tilespmem:s14], [sflag:$0x2] =	stream.linear.gather @!p0 [hbm4b:s15+s16], $0x500, $0x38;
	[tilespmem:$0x1400] =	vst v63  }
0x2a: {  	p0 =	sge.u32 s31, s7  }
.Ltmp2:
0x2b: {  	_ = 	snop;
	(pc) =	sbr.rel @p0 .LBB2_5-.Ltmp2, $1  }
0x2c: {  	_ =	sdelay $0x3  }
0x2d: {  	s14 =	sand.u32 $0x1, s12  }
0x2e: {  	_ =	swait.ge [sflag:s6], $0x500;
	p0 =	seq.s32 s14, $0x1;
	s14 =	simm.s32 $0x500  }
0x2f: {  	[sflag:s6] =	ssyncset.done $0x0;
	s14 =	simm.s32 @!p0 $0x0  }
0x30: {  	[sflag:s6] =	ssyncadd.s32 $0xFFFFFB00;
	(ifvalue) =	ssetifvalue $0x7FFFFFFF;
	v0 =	vld.msk [tilespmem:s14+$0x0 ss:$0x1], $0xffff;
	_ =	sdelay $0x3  }
0x31: {  	s15 =	sadd.s32 $0x10, s14  }
0x32: {  	v2 =	vld.msk [tilespmem:s15+$0x0 ss:$0x1], $0xffff;
	v1 =	vshrl.u32 v0, $0x8  }
0x33: {  	vm1 =	veq.s32 v0, $0x80000000;
	v0 =	vand.u32 $0xFF, v0;
	v1 =	vand.u32 $0xFFF, v1  }
0x34: {  	v0 =	vsel vm1, $0xFFFFFFFF, v0;
	v1 =	vsel vm1, $0xFFFFFFFF, v1  }
0x35: {  	v3 =	vshll.u32 v0, $0xC;
	v4 =	vshll.u32 v1, $0x3  }
0x36: {  	v0 =	vshll.u32 v0, $0x7;
	v3 =	vand.u32 $0xFFFF8000, v3;
	v4 =	vand.u32 $0xFFFFFC00, v4  }
0x37: {  	vm1 =	veq.s32 v2, $0x80000000;
	v0 =	vand.u32 $0x380, v0;
	v3 =	vadd.s32 v3, v4  }
0x38: {  	v1 =	vand.u32 $0x7F, v1;
	v0 =	vor.u32 v0, v3;
	v3 =	vshrl.u32 v2, $0x8  }
0x39: {  	s15 =	sadd.s32 $0x10, s15;
	v2 =	vand.u32 $0xFF, v2;
	v1 =	vor.u32 v1, v0;
	v3 =	vand.u32 $0xFFF, v3  }
0x3a: {  	v0 =	vld.msk [tilespmem:s15+$0x0 ss:$0x1], $0xffff;
	v2 =	vsel vm1, $0xFFFFFFFF, v2;
	v3 =	vsel vm1, $0xFFFFFFFF, v3  }
0x3b: {  	v63 =	vshll.u32 v2, $0xC;
	v5 =	vshll.u32 v3, $0x3  }
0x3c: {  	v2 =	vshll.u32 v2, $0x7;
	v4 =	vand.u32 $0xFFFF8000, v63;
	v5 =	vand.u32 $0xFFFFFC00, v5  }
0x3d: {  	s14 =	sor.u32 $0xA00, s14;
	(ifvalue) =	ssetifvalue $0x7FFFFFFF;
	v2 =	vand.u32 $0x380, v2;
	v4 =	vadd.s32 v4, v5  }
0x3e: {  	[tilespmem:s14], [sflag:$0x1] =	stream.indirect_vreg.gather [hbm4b:s3+s10], $0x1, v1, vm0, $0x4038;
	v1 =	vand.u32 $0x7F, v3;
	v3 =	vor.u32 v2, v4;
	[tilespmem:$0x1400] =	vst v63  }
0x3f: {  	s16 =	simm.s32 $0x20;
	s17 =	sadd.s32 $0x10, s15;
	s15 =	smov.u32 s14;
	v2 =	vshrl.u32 v0, $0x8;
	v1 =	vor.u32 v1, v3  }
.LBB2_3:
0x40: {  	s16 =	sadd.s32 $0x10, s16;
	vm1 =	veq.s32 v0, $0x80000000;
	v3 =	vand.u32 $0xFF, v0;
	v0 =	vld.msk [tilespmem:s17+$0x0 ss:$0x1], $0xffff;
	v2 =	vand.u32 $0xFFF, v2  }
0x41: {  	p0 =	slt.u32 s16, $0x4F0;
	v3 =	vsel vm1, $0xFFFFFFFF, v3;
	v2 =	vsel vm1, $0xFFFFFFFF, v2  }
.Ltmp3:
0x42: {  	v4 =	vshll.u32 v3, $0xC;
	v5 =	vshll.u32 v2, $0x3;
	(pc) =	sbr.rel @p0 .LBB2_3-.Ltmp3, $4  }
0x43: {  	s15 =	sadd.s32 $0x10, s15;
	v3 =	vshll.u32 v3, $0x7;
	v4 =	vand.u32 $0xFFFF8000, v4;
	v5 =	vand.u32 $0xFFFFFC00, v5;
	(ifvalue) =	ssetifvalue $0x7FFFFFFF  }
0x44: {  	v3 =	vand.u32 $0x380, v3;
	v4 =	vadd.s32 v4, v5;
	[tilespmem:s15], [sflag:$0x1] =	stream.indirect_vreg.gather [hbm4b:s3+s10], $0x1, v1, vm0, $0x4038;
	[tilespmem:$0x1400] =	vst v63  }
0x45: {  	v1 =	vand.u32 $0x7F, v2;
	v3 =	vor.u32 v3, v4  }
0x46: {  	s17 =	sadd.s32 $0x10, s17;
	v2 =	vshrl.u32 v0, $0x8;
	v1 =	vor.u32 v1, v3  }
.Ltmp4:
0x47: {  	_ = 	snop;
	(pc) =	sbr.rel .LBB2_4-.Ltmp4, $1  }
0x48: {  	_ =	sdelay $0x3  }
.LBB2_6:
0x49: {  	_ =	sfence.sel $0x180000  }
0x4a: {  	s2 =	simm.s32 $0x2;
	[bflag:$0x0] =	sbarrier.arrive $0xFFFF  }
0x4b: {  	s30 =	simm.s32 $0x3;
	[sflag:s2] =	ssyncpa.u1 $0x1  }
0x4c: {  	s31 =	simm.s32 $0x1;
	[sflag:s30] =	ssyncpa.u1 $0x1  }
0x4d: {  	[sflag:s31] =	ssyncpa.u1 $0x1  }
0x4e: {  	p0 =	sne.s32 s0, $0x0;
	_ =	strace $0x9000004D  }
0x4f: {  	s0 =	sadd.s32 @!p0 $0x100000, s1;
	[bflag:$0x2] =	sbarrier.arrive $0xFFFF  }
0x50: {  	[sflag:s0] =	ssyncadd.tile.s32 @!p0 $0x1;
	_ =	shalt  }
.Lfunc_end2:
_tile_overlayer_lowered:
.L_overlay_start_2:
0x51: {  	(tag) =	ssettag $0x2  }
0x52: {  	s0 =	rddreg [dreg:$0x0];
	s2 =	stileid.u32  }
0x53: {  	s1 =	rddreg [dreg:$0x1];
	p0 =	sne.s32 s2, $0x0  }
0x54: {  	s3 =	rddreg [dreg:$0x2];
	[bflag:$0x3] =	sbarrier.arrive $0xFFFF;
	s2 =	simm.s32 @!p0 $0x1C01  }
0x55: {  	[timem:s3], [sflag:s2] =	dma.local @!p0 [hbm:s0], s1  }
0x56: {  	s0 =	simm.s32 @!p0 $0x1  }
0x57: {  	_ =	swait.ge @!p0 [sflag:s0], s1  }
0x58: {  	s1 =	ssub.s32 @!p0 $0x0, s1;
	[sflag:s0] =	ssyncset.done @!p0 $0x0  }
0x59: {  	[sflag:s0] =	ssyncadd.s32 @!p0 s1  }
0x5a: {  	[bflag:$0x3] =	sbarrier.arrive $0xFFFF  }
0x5b: {  	_ =	shalt  }

// kernel: kernel.6.cloned.1.call-start
scs
__scs_entry_jumppad:
0x0: {  	(pc) =	sbr.rel $0x88, $3  }
0x1: {  	(tag) =	ssettag $0x0;
	lr =	simm.s32 $0x1  }
0x2: {  	[smem:$0x3F99] =	sst lr;
	_ =	strace $0xD0000000  }
0x3: {  	_ = 	snop  }
0x4: {  	_ = 	snop  }
0x5: {  	_ = 	snop  }
0x6: {  	_ = 	snop  }
0x7: {  	_ = 	snop  }
__scs_overlays_trampoline_lowered:
0x8: {  	[smem:$0x3FA8] =	sst s0  }
0x9: {  	[smem:$0x3FA9] =	sst s1  }
0xa: {  	[smem:$0x3FAA] =	sst s2  }
0xb: {  	[smem:$0x3FAB] =	sst s3  }
0xc: {  	[smem:$0x3FAC] =	sst s4  }
0xd: {  	[smem:$0x3FAD] =	sst s5  }
0xe: {  	[smem:$0x3FAE] =	sst s6  }
0xf: {  	[smem:$0x3FAF] =	sst s7  }
0x10: {  	[smem:$0x3FB0] =	sst s8  }
0x11: {  	[smem:$0x3FB1] =	sst s9;
	s0 =	simm.s32 @!p0 $0x0  }
0x12: {  	s1 =	sld [smem:$0x3F97];
	s0 =	simm.s32 @p0 $0x1  }
0x13: {  	[smem:$0x3FB2] =	sst s0;
	s0 =	simm.s32 @!p1 $0x0  }
0x14: {  	s2 =	sld [smem:$0x3F96];
	s0 =	simm.s32 @p1 $0x1  }
0x15: {  	[smem:$0x3FB3] =	sst s0;
	s0 =	simm.s32 @!p2 $0x0  }
0x16: {  	s3 =	sld [smem:$0x3FDB];
	s0 =	simm.s32 @p2 $0x1  }
0x17: {  	s4 =	simm.s32 $0x1BF5;
	[smem:$0x3FB5] =	sst s0  }
0x18: {  	s0 =	sld [smem:$0x3F98];
	_ =	swait.ge [sflag:s4], $0x0  }
0x19: {  	s7 =	sld [smem:$0x3F99]  }
0x1a: {  	s8 =	sadd.s32 $0xFFFFE003, lr  }
0x1b: {  	s9 =	sadd.s32 $0xFFFFFEF7, lr;
	s5 =	simm.s32 $0xFFFFFFFF;
	p2 =	slt.u32 s8, $0xFFFFF086  }
0x1c: {  	p1 =	slt.u32 s9, $0xF7A;
	s5 =	simm.s32 @!p2 $0x0  }
0x1d: {  	s5 =	simm.s32 @p1 $0x1;
	p0 =	seq.s32 s7, s2  }
0x1e: {  	s7 =	smul.u32 @!p0 $0xF7A, s2;
	p2 =	seq.s32 @!p0 s5, $0x0  }
0x1f: {  	s9 =	smul.u32 $0xF7A, s1;
	s8 =	simm.s32 @!p0 $0x1BF5;
	p2 =	por !p2, p0  }
0x20: {  	[sflag:s8] =	ssyncset.s32 @!p0 $0xFFFFF086;
	s6 =	sadd.s32 @!p0 s3, s7;
	s7 =	simm.s32 @!p0 $0x108  }
0x21: {  	s3 =	sadd.s32 s3, s9;
	s6 =	sadd.s32 @!p0 $0x88, s6;
	s7 =	simm.s32 @p2 $0x1082  }
0x22: {  	[simem:s7], [sflag:s8] =	dma.local @!p0 [hbm:s6], $0xF7A  }
0x23: {  	s9 =	sor.u32 $0xD0000000, s2;
	s6 =	simm.s32 $0x108;
	_ =	swait.ge @!p0 [sflag:s8], $0x0  }
0x24: {  	s3 =	sadd.s32 $0x88, s3;
	s6 =	simm.s32 @!p1 $0x1082;
	[sflag:s4] =	ssyncset.s32 $0xFFFFF086  }
0x25: {  	[simem:s6], [sflag:s4] =	dma.local [hbm:s3], $0xF7A  }
0x26: {  	[smem:$0x3F99] =	sst s1;
	(tag) =	ssettag s2;
	_ =	strace s9  }
0x27: {  	s1 =	sld [smem:$0x3FA9]  }
0x28: {  	s2 =	sld [smem:$0x3FAA]  }
0x29: {  	s4 =	sld [smem:$0x3FAC]  }
0x2a: {  	p0 =	seq.s32 s5, $0x0;
	s5 =	sld [smem:$0x3FAD]  }
0x2b: {  	s6 =	sld [smem:$0x3FAE]  }
0x2c: {  	s7 =	sld [smem:$0x3FAF]  }
0x2d: {  	s3 =	simm.s32 $0x108;
	s8 =	sld [smem:$0x3FB0]  }
0x2e: {  	s3 =	simm.s32 @!p0 $0x1082;
	s9 =	sld [smem:$0x3FB1]  }
0x2f: {  	lr =	sadd.s32 s0, s3;
	s0 =	sld [smem:$0x3FA8]  }
0x30: {  	s3 =	sld [smem:$0x3FAB]  }
0x31: {  	[smem:$0x3FB4] =	sst s10  }
0x32: {  	s10 =	sld [smem:$0x3FB2];
	_ =	sdelay $0x3  }
0x33: {  	p0 =	seq.s32 s10, $0x1;
	s10 =	sld [smem:$0x3FB4];
	_ =	sdelay $0x3  }
0x34: {  	[smem:$0x3FB4] =	sst s10  }
0x35: {  	s10 =	sld [smem:$0x3FB3];
	_ =	sdelay $0x3  }
0x36: {  	p1 =	seq.s32 s10, $0x1;
	s10 =	sld [smem:$0x3FB4];
	_ =	sdelay $0x3  }
0x37: {  	[smem:$0x3FB4] =	sst s10  }
0x38: {  	s10 =	sld [smem:$0x3FB5]  }
0x39: {  	_ = 	snop;
	(pc) =	sbr.ind lr, $3  }
0x3a: {  	_ = 	snop  }
0x3b: {  	_ = 	snop  }
0x3c: {  	p2 =	seq.s32 s10, $0x1;
	s10 =	sld [smem:$0x3FB4]  }
0x3d: {  	_ =	shalt  }
0x3e: {  	_ =	shalt  }
0x3f: {  	_ =	shalt  }
0x40: {  	_ =	shalt  }
0x41: {  	_ =	shalt  }
0x42: {  	_ =	shalt  }
0x43: {  	_ =	shalt  }
0x44: {  	_ =	shalt  }
0x45: {  	_ =	shalt  }
0x46: {  	_ =	shalt  }
0x47: {  	_ =	shalt  }
0x48: {  	_ =	shalt  }
0x49: {  	_ =	shalt  }
0x4a: {  	_ =	shalt  }
0x4b: {  	_ =	shalt  }
0x4c: {  	_ =	shalt  }
0x4d: {  	_ =	shalt  }
0x4e: {  	_ =	shalt  }
0x4f: {  	_ =	shalt  }
0x50: {  	_ =	shalt  }
0x51: {  	_ =	shalt  }
0x52: {  	_ =	shalt  }
0x53: {  	_ =	shalt  }
0x54: {  	_ =	shalt  }
0x55: {  	_ =	shalt  }
0x56: {  	_ =	shalt  }
0x57: {  	_ =	shalt  }
0x58: {  	_ =	shalt  }
0x59: {  	_ =	shalt  }
0x5a: {  	_ =	shalt  }
0x5b: {  	_ =	shalt  }
0x5c: {  	_ =	shalt  }
0x5d: {  	_ =	shalt  }
0x5e: {  	_ =	shalt  }
0x5f: {  	_ =	shalt  }
0x60: {  	_ =	shalt  }
0x61: {  	_ =	shalt  }
0x62: {  	_ =	shalt  }
0x63: {  	_ =	shalt  }
0x64: {  	_ =	shalt  }
0x65: {  	_ =	shalt  }
0x66: {  	_ =	shalt  }
0x67: {  	_ =	shalt  }
0x68: {  	_ =	shalt  }
0x69: {  	_ =	shalt  }
0x6a: {  	_ =	shalt  }
0x6b: {  	_ =	shalt  }
0x6c: {  	_ =	shalt  }
0x6d: {  	_ =	shalt  }
0x6e: {  	_ =	shalt  }
0x6f: {  	_ =	shalt  }
0x70: {  	_ =	shalt  }
0x71: {  	_ =	shalt  }
0x72: {  	_ =	shalt  }
0x73: {  	_ =	shalt  }
0x74: {  	_ =	shalt  }
0x75: {  	_ =	shalt  }
0x76: {  	_ =	shalt  }
0x77: {  	_ =	shalt  }
0x78: {  	_ =	shalt  }
0x79: {  	_ =	shalt  }
0x7a: {  	_ =	shalt  }
0x7b: {  	_ =	shalt  }
0x7c: {  	_ =	shalt  }
0x7d: {  	_ =	shalt  }
0x7e: {  	_ =	shalt  }
0x7f: {  	_ =	shalt  }
0x80: {  	_ =	shalt  }
0x81: {  	_ =	shalt  }
0x82: {  	_ =	shalt  }
0x83: {  	_ =	shalt  }
0x84: {  	_ =	shalt  }
0x85: {  	_ =	shalt  }
0x86: {  	_ =	shalt  }
0x87: {  	_ =	shalt  }
.Lfunc_end0:
.L_simem_size_0:
called_computation.1_lowered:
.L_overlay_start_0:
0x88: {  	s2 =	sld [smem:$0x3FD9]  }
0x89: {  	s3 =	sld [smem:$0x3FFE];
	_ =	sdelay $0x1  }
0x8a: {  	s1 =	srdreg.scid  }
0x8b: {  	s0 =	sand.u32 $0x1, s1  }
0x8c: {  	s16 =	sshll.u32 s0, $0xA;
	s2 =	sadd.s32 s3, s2  }
0x8d: {  	s2 =	sadd.s32 s2, s16  }
0x8e: {  	[smem:$0x3FC0] =	sst s2  }
0x8f: {  	_ = 	snop  }
0x90: {  	(tm) =	ssettm $0x1  }
0x91: {  	s17 =	sld [smem:$0x3FFB];
	_ =	sdelay $0x3  }
0x92: {  	_ =	strace s17  }
0x93: {  	s2 =	sld [smem:$0x3FFC];
	_ =	sdelay $0x3  }
0x94: {  	_ =	strace s2  }
0x95: {  	s2 =	sld [smem:$0x3FFD];
	_ =	sdelay $0x3  }
0x96: {  	_ =	strace s2  }
0x97: {  	_ =	strace $0x8FFFFFFF  }
0x98: {  	s18 =	sld [smem:$0x3FDB];
	_ =	sdelay $0x1  }
0x99: {  	s19 =	simm.s32 $_scs_section_size  }
0x9a: {  	s4 =	simm.s32 $_size__tile_overlayer_lowered;
	s5 =	simm.s32 $_tile_overlayer_lowered  }
0x9b: {  	s22 =	simm.s32 $0x1BFF;
	s21 =	sshll.u32 s5, $0x1;
	s2 =	sadd.s32 s19, s18  }
0x9c: {  	s6 =	simm.s32 $0x0;
	s20 =	sshll.u32 s4, $0x1;
	s4 =	sadd.s32 s21, s2  }
0x9d: {  	[timem:s6], [sflag:s22] =	dma.local [hbm:s4], s20  }
0x9e: {  	_ =	swait.ge [sflag:s22], s20  }
0x9f: {  	s3 =	ssub.s32 $0x0, s20;
	[sflag:s22] =	ssyncset.done $0x0  }
0xa0: {  	[sflag:s22] =	ssyncadd.s32 s3;
	_ =	sdelay $0x1  }
0xa1: {  	s23 =	simm.s32 $0x1B8B  }
0xa2: {  	_ =	swait.ge [sflag:s23], $0x1  }
0xa3: {  	[sflag:s23] =	ssyncset.done $0x0  }
0xa4: {  	s25 =	simm.s32 $0x1B8E;
	s24 =	sld [smem:$0x3FFE];
	[sflag:s23] =	ssyncadd.s32 $0xFFFFFFFF  }
0xa5: {  	s26 =	simm.s32 $execute0_lowered;
	[smem:$0x3FD2] =	sst s25  }
0xa6: {  	s4 =	sshll.u32 s26, $0x1;
	_ =	strace $0x80000046;
	[dreg:$0x1] =	wrdreg $0xFFFFFFFF  }
0xa7: {  	s28 =	simm.s32 $_size_execute0_lowered;
	s2 =	sadd.s32 s2, s4;
	[dreg:$0x0] =	wrdreg $0x0  }
0xa8: {  	s4 =	sshll.u32 s28, $0x1;
	[dreg:$0x2] =	wrdreg s2  }
0xa9: {  	[dreg:$0x3] =	wrdreg s4  }
0xaa: {  	[dreg:$0x4] =	wrdreg $0xC0  }
0xab: {  	_ =	task [dreg:s6], $0x5FFFF  }
0xac: {  	[dreg:$0x1] =	wrdreg $0xFFFFFFFF  }
0xad: {  	[dreg:$0x0] =	wrdreg $0x60  }
0xae: {  	[dreg:$0x2] =	wrdreg s24  }
0xaf: {  	[dreg:$0x3] =	wrdreg $0x52800  }
0xb0: {  	[dreg:$0x4] =	wrdreg $0x9  }
0xb1: {  	_ =	task.clear_ibuf [dreg:s6], $0x5FFFF;
	_ =	strace $0x90000046  }
0xb2: {  	s29 =	simm.s32 $0x9;
	_ =	strace $0x80000048  }
0xb3: {  	_ =	swait.ge [sflag:s29], $0x1  }
0xb4: {  	[sflag:s29] =	ssyncadd.s32 $0xFFFFFFFF  }
0xb5: {  	_ =	strace $0x90000048  }
0xb6: {  	_ =	sfence  }
0xb7: {  	s30 =	sld [smem:$0x0];
	_ =	sdelay $0x2  }
0xb8: {  	s31 =	sshll.u32 s1, $0xD;
	s1 =	sshrl.u32 s1, $0x2  }
0xb9: {  	s3 =	sand.u32 $0x4000, s31;
	s1 =	sadd.s32 s1, s30  }
0xba: {  	s0 =	sor.u32 s3, s0;
	s1 =	sshll.u32 s1, $0x11  }
0xbb: {  	s0 =	sor.u32 s1, s0  }
0xbc: {  	s0 =	sadd.s32 $0x8F2B, s0  }
0xbd: {  	[sflag:s0] =	ssyncadd.remote.s32 $0x1  }
0xbe: {  	_ =	sfence.sel $0xFFFF  }
0xbf: {  	[dreg:$0x0] =	wrdreg $0xFFFFFFFF;
	(pc) =	sbr.abs _section_cstart, $3  }
0xc0: {  	[dreg:$0x1] =	wrdreg $0xFFFFFFFF  }
0xc1: {  	_ =	task.clear_ibuf [dreg:s6], $0x2FFFF;
	_ =	strace $0x9FFFFFFF  }
0xc2: {  	(tm) =	ssettm $0x7FFFFFFF  }
0xc3: {  	_ =	shalt  }
tec
execute0_lowered:
.L_overlay_start_1:
0x0: {  	(tag) =	ssettag $0x1  }
0x1: {  	s4 =	rddreg [dreg:$0x0]  }
0x2: {  	s2 =	rddreg [dreg:$0x1]  }
0x3: {  	s0 =	rddreg [dreg:$0x2];
	s5 =	srdreg.scid  }
0x4: {  	s1 =	stileid.u32;
	s3 =	simm.s32 $0x0;
	s10 =	simm.s32 $0x80  }
0x5: {  	s11 =	simm.s32 $0x100;
	s12 =	simm.s32 $0x0;
	s5 =	sand.u32 $0x1, s5  }
0x6: {  	s6 =	smul.u32 $0x500, s1;
	[smem:$0x7FF] =	sst s3;
	s30 =	sshll.u32 s1, $0x1  }
0x7: {  	s31 =	smul.u32 $0xA00, s1;
	s7 =	sshll.u32 s5, $0x7;
	_ =	strace $0x80000047  }
0x8: {  	s8 =	ssub.s32 $0x2, s5;
	s5 =	sor.u32 s5, s30;
	s6 =	sor.u32 s7, s6  }
0x9: {  	s9 =	sshrl.u32 s8, $0x1;
	s5 =	smul.u32 $0x500, s5;
	s7 =	sshrl.u32 s31, $0x2  }
0xa: {  	s6 =	sshrl.u32 s6, $0x3;
	s8 =	ssub.s32 s8, s9;
	s9 =	simm.s32 $0x5000  }
0xb: {  	s6 =	sadd.s32 s6, s4;
	s4 =	sadd.s32 s4, s5;
	s5 =	sadd.s32 s7, s2  }
0xc: {  	v0 =	vimm.f32 $1.000000000e+00;
	v1 =	vimm.f32 $0.0e+00;
	s7 =	smax.u32 s8, $0x1;
	s8 =	simm.s32 $0x1;
	s6 =	sadd.s32 $0xA000, s6  }
.LBB2_1:
0xd: {  	[tilespmem:s3], [sflag:$0x1] =	stream.linear.gather [hbm4b:s4+s3], $0x2800, $0x38;
	[tilespmem:$0x5500] =	vst v63  }
0xe: {  	_ =	swait.ge [sflag:s8], $0x2800  }
0xf: {  	[sflag:s8] =	ssyncset.done $0x0  }
0x10: {  	s13 =	simm.s32 $0x40;
	s14 =	simm.s32 $0x0;
	[sflag:s8] =	ssyncadd.s32 $0xFFFFD800  }
.LBB2_2:
0x11: {  	p0 =	sne.s32 s13, $0x9FC0;
	[tilespmem:s14+$0x2800] =	vst v0;
	s14 =	smov.u32 s13;
	s13 =	sadd.s32 $0x40, s13  }
.Ltmp0:
0x12: {  	(pc) =	sbr.rel @p0 .LBB2_2-.Ltmp0, $2  }
0x13: {  	_ =	sdelay $0x2  }
0x14: {  	s14 =	sshra.s32 s14, $0x2  }
0x15: {  	[tilespmem:s14+$0x2800] =	vst v0  }
0x16: {  	[tilespmem:$0x5000] =	vst v1  }
0x17: {  	[tilespmem:$0x5010] =	vst v1  }
0x18: {  	[tilespmem:$0x5020] =	vst v1  }
0x19: {  	[tilespmem:$0x5030] =	vst v1  }
0x1a: {  	[tilespmem:$0x5040] =	vst v1  }
0x1b: {  	[tilespmem:$0x5050] =	vst v1  }
0x1c: {  	[tilespmem:$0x5060] =	vst v1  }
0x1d: {  	[tilespmem:$0x5070] =	vst v1  }
0x1e: {  	[tilespmem:$0x5080] =	vst v1  }
0x1f: {  	[tilespmem:$0x5090] =	vst v1  }
0x20: {  	[tilespmem:$0x50A0] =	vst v1  }
0x21: {  	[tilespmem:$0x50B0] =	vst v1  }
0x22: {  	[tilespmem:$0x50C0] =	vst v1  }
0x23: {  	[tilespmem:$0x50D0] =	vst v1  }
0x24: {  	[tilespmem:$0x50E0] =	vst v1  }
0x25: {  	[tilespmem:$0x50F0] =	vst v1  }
0x26: {  	[tilespmem:$0x5100] =	vst v1  }
0x27: {  	[tilespmem:$0x5110] =	vst v1  }
0x28: {  	[tilespmem:$0x5120] =	vst v1  }
0x29: {  	[tilespmem:$0x5130] =	vst v1  }
0x2a: {  	[tilespmem:$0x5140] =	vst v1  }
0x2b: {  	[tilespmem:$0x5150] =	vst v1  }
0x2c: {  	[tilespmem:$0x5160] =	vst v1  }
0x2d: {  	[tilespmem:$0x5170] =	vst v1  }
0x2e: {  	[tilespmem:$0x5180] =	vst v1  }
0x2f: {  	[tilespmem:$0x5190] =	vst v1  }
0x30: {  	[tilespmem:$0x51A0] =	vst v1  }
0x31: {  	[tilespmem:$0x51B0] =	vst v1  }
0x32: {  	[tilespmem:$0x51C0] =	vst v1  }
0x33: {  	[tilespmem:$0x51D0] =	vst v1  }
0x34: {  	[tilespmem:$0x51E0] =	vst v1  }
0x35: {  	[tilespmem:$0x51F0] =	vst v1  }
0x36: {  	[tilespmem:$0x5200] =	vst v1  }
0x37: {  	[tilespmem:$0x5210] =	vst v1  }
0x38: {  	[tilespmem:$0x5220] =	vst v1  }
0x39: {  	[tilespmem:$0x5230] =	vst v1  }
0x3a: {  	[tilespmem:$0x5240] =	vst v1  }
0x3b: {  	[tilespmem:$0x5250] =	vst v1  }
0x3c: {  	[tilespmem:$0x5260] =	vst v1  }
0x3d: {  	[tilespmem:$0x5270] =	vst v1  }
0x3e: {  	[spmem:s5] =	stream.linear.scatter [tilespmem:s9], [sflag:$0x1], $0x280, $0x38;
	[tilespmem:$0x5500] =	vst v63  }
0x3f: {  	_ =	swait.ge [sflag:s8], $0x280  }
0x40: {  	[sflag:s8] =	ssyncset.done $0x0  }
0x41: {  	[sflag:s8] =	ssyncadd.s32 $0xFFFFFD80  }
0x42: {  	s13 =	simm.s32 $0x0;
	s31 =	simm.s32 $0x2800;
	[bflag:$0x0] =	sbarrier.arrive $0xFFFF  }
0x43: {  	[spmem:s2] =	stream.indirect.scatter.add.f32 [tilespmem:s31], [sflag:$0x1], $0x1, s13, s10, $0xb8;
	[tilespmem:$0x5500] =	vst v63  }
0x44: {  	s13 =	simm.s32 $0x200;
	_ =	swait.ge [sflag:s8], $0x80  }
.LBB2_4:
0x45: {  	s14 =	sshra.s32 s13, $0x2;
	[sflag:s8] =	ssyncset.done $0x0;
	p0 =	sne.s32 s13, $0x9E00  }
.Ltmp1:
0x46: {  	s15 =	sadd.s32 $0x2800, s14;
	[sflag:s8] =	ssyncadd.s32 $0xFFFFFF80;
	(pc) =	sbr.rel @p0 .LBB2_4-.Ltmp1, $3  }
0x47: {  	[spmem:s2] =	stream.indirect.scatter.add.f32 [tilespmem:s15], [sflag:$0x1], $0x1, s14, s10, $0xb8;
	[tilespmem:$0x5500] =	vst v63  }
0x48: {  	s13 =	sadd.s32 $0x200, s13;
	_ =	sdelay $0x1  }
0x49: {  	_ =	swait.ge [sflag:s8], $0x80  }
0x4a: {  	[sflag:s8] =	ssyncset.done $0x0  }
0x4b: {  	[sflag:s8] =	ssyncadd.s32 $0xFFFFFF80  }
0x4c: {  	[bflag:$0x0] =	sbarrier.arrive $0xFFFF  }
0x4d: {  	[tilespmem:s9], [sflag:$0x1] =	stream.linear.gather [spmem:s5], $0x280, $0x38;
	[tilespmem:$0x5500] =	vst v63  }
0x4e: {  	s12 =	sadd.s32 $0x1, s12;
	_ =	swait.ge [sflag:s8], $0x280  }
0x4f: {  	p0 =	sne.s32 s12, s7;
	[sflag:s8] =	ssyncset.done $0x0  }
.Ltmp2:
0x50: {  	[sflag:s8] =	ssyncadd.s32 $0xFFFFFD80;
	(pc) =	sbr.rel @p0 .LBB2_1-.Ltmp2, $4  }
0x51: {  	[hbm4b:s6+s10] =	stream.strided.scatter [tilespmem:s9], [sflag:$0x1], $0x280, s11, s10, $0x38;
	[tilespmem:$0x5500] =	vst v63  }
0x52: {  	_ =	swait.ge [sflag:s8], $0x280  }
0x53: {  	[sflag:s8] =	ssyncset.done $0x0  }
0x54: {  	[sflag:s8] =	ssyncadd.s32 $0xFFFFFD80  }
0x55: {  	_ =	sfence.sel $0x180000  }
0x56: {  	[bflag:$0x0] =	sbarrier.arrive $0xFFFF  }
0x57: {  	p0 =	sne.s32 s1, $0x0;
	_ =	strace $0x90000047  }
0x58: {  	s0 =	sadd.s32 @!p0 $0x100000, s0;
	[bflag:$0x2] =	sbarrier.arrive $0xFFFF  }
0x59: {  	[sflag:s0] =	ssyncadd.tile.s32 @!p0 $0x1;
	_ =	shalt  }
.Lfunc_end2:
_tile_overlayer_lowered:
.L_overlay_start_2:
0x5a: {  	(tag) =	ssettag $0x2  }
0x5b: {  	s0 =	rddreg [dreg:$0x0];
	s2 =	stileid.u32  }
0x5c: {  	s1 =	rddreg [dreg:$0x1];
	p0 =	sne.s32 s2, $0x0  }
0x5d: {  	s3 =	rddreg [dreg:$0x2];
	[bflag:$0x3] =	sbarrier.arrive $0xFFFF;
	s2 =	simm.s32 @!p0 $0x1C01  }
0x5e: {  	[timem:s3], [sflag:s2] =	dma.local @!p0 [hbm:s0], s1  }
0x5f: {  	s0 =	simm.s32 @!p0 $0x1  }
0x60: {  	_ =	swait.ge @!p0 [sflag:s0], s1  }
0x61: {  	s1 =	ssub.s32 @!p0 $0x0, s1;
	[sflag:s0] =	ssyncset.done @!p0 $0x0  }
0x62: {  	[sflag:s0] =	ssyncadd.s32 @!p0 s1  }
0x63: {  	[bflag:$0x3] =	sbarrier.arrive $0xFFFF  }
0x64: {  	_ =	shalt  }

// kernel: kernel.9.cloned.1.call-start
scs
__scs_entry_jumppad:
0x0: {  	(pc) =	sbr.rel $0x88, $3  }
0x1: {  	(tag) =	ssettag $0x0;
	lr =	simm.s32 $0x1  }
0x2: {  	[smem:$0x3F99] =	sst lr;
	_ =	strace $0xD0000000  }
0x3: {  	_ = 	snop  }
0x4: {  	_ = 	snop  }
0x5: {  	_ = 	snop  }
0x6: {  	_ = 	snop  }
0x7: {  	_ = 	snop  }
__scs_overlays_trampoline_lowered:
0x8: {  	[smem:$0x3FA8] =	sst s0  }
0x9: {  	[smem:$0x3FA9] =	sst s1  }
0xa: {  	[smem:$0x3FAA] =	sst s2  }
0xb: {  	[smem:$0x3FAB] =	sst s3  }
0xc: {  	[smem:$0x3FAC] =	sst s4  }
0xd: {  	[smem:$0x3FAD] =	sst s5  }
0xe: {  	[smem:$0x3FAE] =	sst s6  }
0xf: {  	[smem:$0x3FAF] =	sst s7  }
0x10: {  	[smem:$0x3FB0] =	sst s8  }
0x11: {  	[smem:$0x3FB1] =	sst s9;
	s0 =	simm.s32 @!p0 $0x0  }
0x12: {  	s1 =	sld [smem:$0x3F97];
	s0 =	simm.s32 @p0 $0x1  }
0x13: {  	[smem:$0x3FB2] =	sst s0;
	s0 =	simm.s32 @!p1 $0x0  }
0x14: {  	s2 =	sld [smem:$0x3F96];
	s0 =	simm.s32 @p1 $0x1  }
0x15: {  	[smem:$0x3FB3] =	sst s0;
	s0 =	simm.s32 @!p2 $0x0  }
0x16: {  	s3 =	sld [smem:$0x3FDB];
	s0 =	simm.s32 @p2 $0x1  }
0x17: {  	s4 =	simm.s32 $0x1BF5;
	[smem:$0x3FB5] =	sst s0  }
0x18: {  	s0 =	sld [smem:$0x3F98];
	_ =	swait.ge [sflag:s4], $0x0  }
0x19: {  	s7 =	sld [smem:$0x3F99]  }
0x1a: {  	s8 =	sadd.s32 $0xFFFFE003, lr  }
0x1b: {  	s9 =	sadd.s32 $0xFFFFFEF7, lr;
	s5 =	simm.s32 $0xFFFFFFFF;
	p2 =	slt.u32 s8, $0xFFFFF086  }
0x1c: {  	p1 =	slt.u32 s9, $0xF7A;
	s5 =	simm.s32 @!p2 $0x0  }
0x1d: {  	s5 =	simm.s32 @p1 $0x1;
	p0 =	seq.s32 s7, s2  }
0x1e: {  	s7 =	smul.u32 @!p0 $0xF7A, s2;
	p2 =	seq.s32 @!p0 s5, $0x0  }
0x1f: {  	s9 =	smul.u32 $0xF7A, s1;
	s8 =	simm.s32 @!p0 $0x1BF5;
	p2 =	por !p2, p0  }
0x20: {  	[sflag:s8] =	ssyncset.s32 @!p0 $0xFFFFF086;
	s6 =	sadd.s32 @!p0 s3, s7;
	s7 =	simm.s32 @!p0 $0x108  }
0x21: {  	s3 =	sadd.s32 s3, s9;
	s6 =	sadd.s32 @!p0 $0x88, s6;
	s7 =	simm.s32 @p2 $0x1082  }
0x22: {  	[simem:s7], [sflag:s8] =	dma.local @!p0 [hbm:s6], $0xF7A  }
0x23: {  	s9 =	sor.u32 $0xD0000000, s2;
	s6 =	simm.s32 $0x108;
	_ =	swait.ge @!p0 [sflag:s8], $0x0  }
0x24: {  	s3 =	sadd.s32 $0x88, s3;
	s6 =	simm.s32 @!p1 $0x1082;
	[sflag:s4] =	ssyncset.s32 $0xFFFFF086  }
0x25: {  	[simem:s6], [sflag:s4] =	dma.local [hbm:s3], $0xF7A  }
0x26: {  	[smem:$0x3F99] =	sst s1;
	(tag) =	ssettag s2;
	_ =	strace s9  }
0x27: {  	s1 =	sld [smem:$0x3FA9]  }
0x28: {  	s2 =	sld [smem:$0x3FAA]  }
0x29: {  	s4 =	sld [smem:$0x3FAC]  }
0x2a: {  	p0 =	seq.s32 s5, $0x0;
	s5 =	sld [smem:$0x3FAD]  }
0x2b: {  	s6 =	sld [smem:$0x3FAE]  }
0x2c: {  	s7 =	sld [smem:$0x3FAF]  }
0x2d: {  	s3 =	simm.s32 $0x108;
	s8 =	sld [smem:$0x3FB0]  }
0x2e: {  	s3 =	simm.s32 @!p0 $0x1082;
	s9 =	sld [smem:$0x3FB1]  }
0x2f: {  	lr =	sadd.s32 s0, s3;
	s0 =	sld [smem:$0x3FA8]  }
0x30: {  	s3 =	sld [smem:$0x3FAB]  }
0x31: {  	[smem:$0x3FB4] =	sst s10  }
0x32: {  	s10 =	sld [smem:$0x3FB2];
	_ =	sdelay $0x3  }
0x33: {  	p0 =	seq.s32 s10, $0x1;
	s10 =	sld [smem:$0x3FB4];
	_ =	sdelay $0x3  }
0x34: {  	[smem:$0x3FB4] =	sst s10  }
0x35: {  	s10 =	sld [smem:$0x3FB3];
	_ =	sdelay $0x3  }
0x36: {  	p1 =	seq.s32 s10, $0x1;
	s10 =	sld [smem:$0x3FB4];
	_ =	sdelay $0x3  }
0x37: {  	[smem:$0x3FB4] =	sst s10  }
0x38: {  	s10 =	sld [smem:$0x3FB5]  }
0x39: {  	_ = 	snop;
	(pc) =	sbr.ind lr, $3  }
0x3a: {  	_ = 	snop  }
0x3b: {  	_ = 	snop  }
0x3c: {  	p2 =	seq.s32 s10, $0x1;
	s10 =	sld [smem:$0x3FB4]  }
0x3d: {  	_ =	shalt  }
0x3e: {  	_ =	shalt  }
0x3f: {  	_ =	shalt  }
0x40: {  	_ =	shalt  }
0x41: {  	_ =	shalt  }
0x42: {  	_ =	shalt  }
0x43: {  	_ =	shalt  }
0x44: {  	_ =	shalt  }
0x45: {  	_ =	shalt  }
0x46: {  	_ =	shalt  }
0x47: {  	_ =	shalt  }
0x48: {  	_ =	shalt  }
0x49: {  	_ =	shalt  }
0x4a: {  	_ =	shalt  }
0x4b: {  	_ =	shalt  }
0x4c: {  	_ =	shalt  }
0x4d: {  	_ =	shalt  }
0x4e: {  	_ =	shalt  }
0x4f: {  	_ =	shalt  }
0x50: {  	_ =	shalt  }
0x51: {  	_ =	shalt  }
0x52: {  	_ =	shalt  }
0x53: {  	_ =	shalt  }
0x54: {  	_ =	shalt  }
0x55: {  	_ =	shalt  }
0x56: {  	_ =	shalt  }
0x57: {  	_ =	shalt  }
0x58: {  	_ =	shalt  }
0x59: {  	_ =	shalt  }
0x5a: {  	_ =	shalt  }
0x5b: {  	_ =	shalt  }
0x5c: {  	_ =	shalt  }
0x5d: {  	_ =	shalt  }
0x5e: {  	_ =	shalt  }
0x5f: {  	_ =	shalt  }
0x60: {  	_ =	shalt  }
0x61: {  	_ =	shalt  }
0x62: {  	_ =	shalt  }
0x63: {  	_ =	shalt  }
0x64: {  	_ =	shalt  }
0x65: {  	_ =	shalt  }
0x66: {  	_ =	shalt  }
0x67: {  	_ =	shalt  }
0x68: {  	_ =	shalt  }
0x69: {  	_ =	shalt  }
0x6a: {  	_ =	shalt  }
0x6b: {  	_ =	shalt  }
0x6c: {  	_ =	shalt  }
0x6d: {  	_ =	shalt  }
0x6e: {  	_ =	shalt  }
0x6f: {  	_ =	shalt  }
0x70: {  	_ =	shalt  }
0x71: {  	_ =	shalt  }
0x72: {  	_ =	shalt  }
0x73: {  	_ =	shalt  }
0x74: {  	_ =	shalt  }
0x75: {  	_ =	shalt  }
0x76: {  	_ =	shalt  }
0x77: {  	_ =	shalt  }
0x78: {  	_ =	shalt  }
0x79: {  	_ =	shalt  }
0x7a: {  	_ =	shalt  }
0x7b: {  	_ =	shalt  }
0x7c: {  	_ =	shalt  }
0x7d: {  	_ =	shalt  }
0x7e: {  	_ =	shalt  }
0x7f: {  	_ =	shalt  }
0x80: {  	_ =	shalt  }
0x81: {  	_ =	shalt  }
0x82: {  	_ =	shalt  }
0x83: {  	_ =	shalt  }
0x84: {  	_ =	shalt  }
0x85: {  	_ =	shalt  }
0x86: {  	_ =	shalt  }
0x87: {  	_ =	shalt  }
.Lfunc_end0:
.L_simem_size_0:
called_computation.2_lowered:
.L_overlay_start_0:
0x88: {  	s2 =	sld [smem:$0x3FD9]  }
0x89: {  	s3 =	sld [smem:$0x3FFE];
	_ =	sdelay $0x1  }
0x8a: {  	s1 =	srdreg.scid  }
0x8b: {  	s0 =	sand.u32 $0x1, s1  }
0x8c: {  	s14 =	sshll.u32 s0, $0xA;
	s2 =	sadd.s32 s3, s2  }
0x8d: {  	s2 =	sadd.s32 s2, s14  }
0x8e: {  	[smem:$0x3FC0] =	sst s2  }
0x8f: {  	_ = 	snop  }
0x90: {  	s2 =	sld [smem:$0x3FD0];
	_ =	sdelay $0x2  }
0x91: {  	s15 =	simm.s32 $0xA;
	s4 =	simm.s32 $0x10  }
0x92: {  	[smem:s4], [sflag:s15] =	dma.local [hbm:s2], $0x1  }
0x93: {  	_ =	swait.eq [sflag:s15], $0x1  }
0x94: {  	[sflag:s15] =	ssyncset.done $0x0  }
0x95: {  	s16 =	sld [smem:$0x10];
	[sflag:s15] =	ssyncadd.s32 $0xFFFFFFFF  }
0x96: {  	s17 =	sld [smem:$0x11];
	(tm) =	ssettm $0x1  }
0x97: {  	s18 =	sld [smem:$0x3FFB];
	_ =	sdelay $0x3  }
0x98: {  	_ =	strace s18  }
0x99: {  	s4 =	sld [smem:$0x3FFC];
	_ =	sdelay $0x3  }
0x9a: {  	_ =	strace s4  }
0x9b: {  	s4 =	sld [smem:$0x3FFD];
	_ =	sdelay $0x3  }
0x9c: {  	_ =	strace s4  }
0x9d: {  	_ =	strace $0x8FFFFFFF  }
0x9e: {  	s19 =	sld [smem:$0x3FDB];
	_ =	sdelay $0x1  }
0x9f: {  	s5 =	simm.s32 $_scs_section_size  }
0xa0: {  	s6 =	simm.s32 $_size__tile_overlayer_lowered;
	s7 =	simm.s32 $_tile_overlayer_lowered  }
0xa1: {  	s22 =	simm.s32 $0x1BFF;
	s21 =	sshll.u32 s7, $0x1;
	s4 =	sadd.s32 s5, s19  }
0xa2: {  	s8 =	simm.s32 $0x0;
	s20 =	sshll.u32 s6, $0x1;
	s6 =	sadd.s32 s21, s4  }
0xa3: {  	[timem:s8], [sflag:s22] =	dma.local [hbm:s6], s20  }
0xa4: {  	_ =	swait.ge [sflag:s22], s20  }
0xa5: {  	s5 =	ssub.s32 $0x0, s20;
	[sflag:s22] =	ssyncset.done $0x0  }
0xa6: {  	[sflag:s22] =	ssyncadd.s32 s5;
	_ =	sdelay $0x1  }
0xa7: {  	s23 =	simm.s32 $0x1B8B  }
0xa8: {  	_ =	swait.ge [sflag:s23], $0x1  }
0xa9: {  	[sflag:s23] =	ssyncset.done $0x0  }
0xaa: {  	s25 =	simm.s32 $0x1B8E;
	s24 =	sld [smem:$0x3FFE];
	[sflag:s23] =	ssyncadd.s32 $0xFFFFFFFF  }
0xab: {  	s26 =	simm.s32 $execute0_lowered;
	[smem:$0x3FD2] =	sst s25  }
0xac: {  	s6 =	sshll.u32 s26, $0x1;
	_ =	strace $0x80000049;
	[dreg:$0x1] =	wrdreg $0xFFFFFFFF  }
0xad: {  	s28 =	simm.s32 $_size_execute0_lowered;
	s4 =	sadd.s32 s4, s6;
	[dreg:$0x0] =	wrdreg $0x0  }
0xae: {  	s6 =	sshll.u32 s28, $0x1;
	[dreg:$0x2] =	wrdreg s4  }
0xaf: {  	[dreg:$0x3] =	wrdreg s6  }
0xb0: {  	[dreg:$0x4] =	wrdreg $0xC0  }
0xb1: {  	_ =	task [dreg:s8], $0x5FFFF  }
0xb2: {  	[dreg:$0x1] =	wrdreg $0xFFFFFFFF  }
0xb3: {  	[dreg:$0x0] =	wrdreg $0x60  }
0xb4: {  	[dreg:$0x2] =	wrdreg s24  }
0xb5: {  	[dreg:$0x3] =	wrdreg s17  }
0xb6: {  	[dreg:$0x4] =	wrdreg s16  }
0xb7: {  	[dreg:$0x5] =	wrdreg $0x11A800  }
0xb8: {  	[dreg:$0x6] =	wrdreg $0x11D000  }
0xb9: {  	[dreg:$0x7] =	wrdreg $0x9  }
0xba: {  	_ =	task.clear_ibuf [dreg:s8], $0x8FFFF;
	_ =	strace $0x90000049  }
0xbb: {  	s29 =	simm.s32 $0x9;
	_ =	strace $0x8000004B  }
0xbc: {  	_ =	swait.ge [sflag:s29], $0x1  }
0xbd: {  	[sflag:s29] =	ssyncadd.s32 $0xFFFFFFFF  }
0xbe: {  	_ =	strace $0x9000004B  }
0xbf: {  	_ =	sfence  }
0xc0: {  	s30 =	sld [smem:$0x0];
	_ =	sdelay $0x2  }
0xc1: {  	s31 =	sshll.u32 s1, $0xD;
	s1 =	sshrl.u32 s1, $0x2  }
0xc2: {  	s3 =	sand.u32 $0x4000, s31;
	s1 =	sadd.s32 s1, s30  }
0xc3: {  	s0 =	sor.u32 s3, s0;
	s1 =	sshll.u32 s1, $0x11  }
0xc4: {  	s0 =	sor.u32 s1, s0  }
0xc5: {  	s0 =	sadd.s32 $0x8F2B, s0  }
0xc6: {  	[sflag:s0] =	ssyncadd.remote.s32 $0x1  }
0xc7: {  	_ =	sfence.sel $0xFFFF  }
0xc8: {  	[dreg:$0x0] =	wrdreg $0xFFFFFFFF;
	(pc) =	sbr.abs _section_cstart, $3  }
0xc9: {  	[dreg:$0x1] =	wrdreg $0xFFFFFFFF  }
0xca: {  	_ =	task.clear_ibuf [dreg:s8], $0x2FFFF;
	_ =	strace $0x9FFFFFFF  }
0xcb: {  	(tm) =	ssettm $0x7FFFFFFF  }
tec
execute0_lowered:
.L_overlay_start_1:
0x0: {  	(tag) =	ssettag $0x1  }
0x1: {  	s7 =	rddreg [dreg:$0x0]  }
0x2: {  	s12 =	rddreg [dreg:$0x1]  }
0x3: {  	s13 =	rddreg [dreg:$0x2]  }
0x4: {  	s1 =	srdreg.scid;
	s2 =	rddreg [dreg:$0x3]  }
0x5: {  	s0 =	stileid.u32;
	s3 =	rddreg [dreg:$0x4];
	s4 =	simm.s32 $0x0  }
0x6: {  	s16 =	simm.s32 $0x80;
	s17 =	simm.s32 $0x400;
	s18 =	simm.s32 $0x2800  }
0x7: {  	s19 =	simm.s32 $0x5000;
	s20 =	simm.s32 $0x7800;
	s21 =	simm.s32 $0xA000  }
0x8: {  	s22 =	simm.s32 $0x11800;
	s23 =	simm.s32 $0x100;
	s24 =	simm.s32 $0x0  }
0x9: {  	s8 =	sand.u32 $0x1, s1;
	s26 =	sshll.u32 s0, $0x1;
	s15 =	smul.u32 $0x500, s0  }
0xa: {  	s28 =	sshrl.u32 s0, $0x2;
	s1 =	rddreg [dreg:$0x5];
	s30 =	smul.u32 $0x280, s0  }
0xb: {  	[smem:$0x7FF] =	sst s4;
	s5 =	sor.u32 s8, s26;
	s6 =	smul.u32 $0x14000, s28  }
0xc: {  	_ =	strace $0x8000004A;
	s10 =	ssub.s32 $0x2, s8;
	s8 =	sshll.u32 s8, $0x7  }
0xd: {  	s9 =	sshll.u32 s5, $0x7;
	s11 =	smul.u32 $0x500, s5;
	s5 =	sadd.s32 $0x1F000, s7  }
0xe: {  	s14 =	sshrl.u32 s10, $0x1;
	s31 =	sor.u32 s8, s15;
	s9 =	sand.u32 $0x380, s9  }
0xf: {  	s14 =	ssub.s32 s10, s14;
	s15 =	sshrl.u32 s31, $0x3;
	s10 =	sadd.s32 s30, s2  }
0x10: {  	s6 =	sor.u32 s6, s9;
	s12 =	sadd.s32 s12, s15;
	s13 =	sadd.s32 s13, s15  }
0x11: {  	s14 =	smax.u32 s14, $0x1;
	s15 =	simm.s32 $0x1;
	s6 =	sshrl.u32 s6, $0x3  }
0x12: {  	s29 =	sadd.s32 s6, s7;
	s6 =	sadd.s32 $0x1EA00, s7;
	s7 =	sadd.s32 s7, s11  }
0x13: {  	v0 =	vimm.f32 $0.0e+00;
	s11 =	sadd.s32 s30, s3;
	s8 =	sadd.s32 $0xAA00, s29;
	s9 =	sadd.s32 $0x14A00, s29  }
.LBB2_1:
0x14: {  	[tilespmem:s4], [sflag:$0x1] =	stream.linear.gather [hbm4b:s7+s4], $0x2800, $0x38;
	[tilespmem:$0x11F80] =	vst v63  }
0x15: {  	_ =	swait.ge [sflag:s15], $0x2800  }
0x16: {  	[sflag:s15] =	ssyncset.done $0x0  }
0x17: {  	[sflag:s15] =	ssyncadd.s32 $0xFFFFD800  }
0x18: {  	[tilespmem:s18], [sflag:$0x1] =	stream.strided.gather [hbm4b:s8+s16], $0x2800, s17, s16, $0x38;
	[tilespmem:$0x11F80] =	vst v63  }
0x19: {  	_ =	swait.ge [sflag:s15], $0x2800  }
0x1a: {  	[sflag:s15] =	ssyncset.done $0x0  }
0x1b: {  	[sflag:s15] =	ssyncadd.s32 $0xFFFFD800  }
0x1c: {  	[tilespmem:s19], [sflag:$0x1] =	stream.strided.gather [hbm4b:s9+s16], $0x2800, s17, s16, $0x38;
	[tilespmem:$0x11F80] =	vst v63  }
0x1d: {  	_ =	swait.ge [sflag:s15], $0x2800  }
0x1e: {  	[sflag:s15] =	ssyncset.done $0x0  }
0x1f: {  	[sflag:s15] =	ssyncadd.s32 $0xFFFFD800  }
0x20: {  	[tilespmem:s20], [sflag:$0x1] =	stream.linear.gather [hbm4b:s5+s4], $0x2800, $0x38;
	[tilespmem:$0x11F80] =	vst v63  }
0x21: {  	_ =	swait.ge [sflag:s15], $0x2800  }
0x22: {  	[sflag:s15] =	ssyncset.done $0x0  }
0x23: {  	[sflag:s15] =	ssyncadd.s32 $0xFFFFD800  }
0x24: {  	[tilespmem:s21], [sflag:$0x1] =	stream.linear.gather [hbm4b:s6+s4], $0x2800, $0x38;
	[tilespmem:$0x11F80] =	vst v63  }
0x25: {  	_ =	swait.ge [sflag:s15], $0x2800  }
0x26: {  	[sflag:s15] =	ssyncset.done $0x0  }
0x27: {  	[sflag:s15] =	ssyncadd.s32 $0xFFFFD800  }
0x28: {  	[tilespmem:$0x11800] =	vst v0  }
0x29: {  	[tilespmem:$0x11810] =	vst v0  }
0x2a: {  	[tilespmem:$0x11820] =	vst v0  }
0x2b: {  	[tilespmem:$0x11830] =	vst v0  }
0x2c: {  	[tilespmem:$0x11840] =	vst v0  }
0x2d: {  	[tilespmem:$0x11850] =	vst v0  }
0x2e: {  	[tilespmem:$0x11860] =	vst v0  }
0x2f: {  	[tilespmem:$0x11870] =	vst v0  }
0x30: {  	[tilespmem:$0x11880] =	vst v0  }
0x31: {  	[tilespmem:$0x11890] =	vst v0  }
0x32: {  	[tilespmem:$0x118A0] =	vst v0  }
0x33: {  	[tilespmem:$0x118B0] =	vst v0  }
0x34: {  	[tilespmem:$0x118C0] =	vst v0  }
0x35: {  	[tilespmem:$0x118D0] =	vst v0  }
0x36: {  	[tilespmem:$0x118E0] =	vst v0  }
0x37: {  	[tilespmem:$0x118F0] =	vst v0  }
0x38: {  	[tilespmem:$0x11900] =	vst v0  }
0x39: {  	[tilespmem:$0x11910] =	vst v0  }
0x3a: {  	[tilespmem:$0x11920] =	vst v0  }
0x3b: {  	[tilespmem:$0x11930] =	vst v0  }
0x3c: {  	[tilespmem:$0x11940] =	vst v0  }
0x3d: {  	[tilespmem:$0x11950] =	vst v0  }
0x3e: {  	[tilespmem:$0x11960] =	vst v0  }
0x3f: {  	[tilespmem:$0x11970] =	vst v0  }
0x40: {  	[tilespmem:$0x11980] =	vst v0  }
0x41: {  	[tilespmem:$0x11990] =	vst v0  }
0x42: {  	[tilespmem:$0x119A0] =	vst v0  }
0x43: {  	[tilespmem:$0x119B0] =	vst v0  }
0x44: {  	[tilespmem:$0x119C0] =	vst v0  }
0x45: {  	[tilespmem:$0x119D0] =	vst v0  }
0x46: {  	[tilespmem:$0x119E0] =	vst v0  }
0x47: {  	[tilespmem:$0x119F0] =	vst v0  }
0x48: {  	[tilespmem:$0x11A00] =	vst v0  }
0x49: {  	[tilespmem:$0x11A10] =	vst v0  }
0x4a: {  	[tilespmem:$0x11A20] =	vst v0  }
0x4b: {  	[tilespmem:$0x11A30] =	vst v0  }
0x4c: {  	[tilespmem:$0x11A40] =	vst v0  }
0x4d: {  	[tilespmem:$0x11A50] =	vst v0  }
0x4e: {  	[tilespmem:$0x11A60] =	vst v0  }
0x4f: {  	[tilespmem:$0x11A70] =	vst v0  }
0x50: {  	[spmem:s10] =	stream.linear.scatter [tilespmem:s22], [sflag:$0x1], $0x280, $0x38;
	[tilespmem:$0x11F80] =	vst v63  }
0x51: {  	_ =	swait.ge [sflag:s15], $0x280  }
0x52: {  	[sflag:s15] =	ssyncset.done $0x0  }
0x53: {  	[sflag:s15] =	ssyncadd.s32 $0xFFFFFD80  }
0x54: {  	[spmem:s11] =	stream.linear.scatter [tilespmem:s22], [sflag:$0x1], $0x280, $0x38;
	[tilespmem:$0x11F80] =	vst v63  }
0x55: {  	_ =	swait.ge [sflag:s15], $0x280  }
0x56: {  	[sflag:s15] =	ssyncset.done $0x0  }
0x57: {  	[sflag:s15] =	ssyncadd.s32 $0xFFFFFD80  }
0x58: {  	s25 =	simm.s32 $0x0;
	[bflag:$0x0] =	sbarrier.arrive $0xFFFF  }
0x59: {  	v1 =	vld [tilespmem:s25+$0x5000]  }
0x5a: {  	v2 =	vld [tilespmem:s25+$0x2800];
	_ =	sdelay $0x6  }
0x5b: {  	v3 =	vld.idx.msk [tilespmem:v1+s20+$0x0], $0xffff  }
0x5c: {  	v2 =	vld.idx.msk [tilespmem:v2+s20+$0x0], $0xffff;
	_ =	sdelay $0x4  }
0x5d: {  	s26 =	simm.s32 $0x10;
	v4 =	vmul.f32 v3, v2  }
0x5e: {  	v2 =	vld [tilespmem:s26+$0x2800]  }
0x5f: {  	s28 =	simm.s32 $0x80;
	v3 =	vld [tilespmem:s26+$0x5000];
	[tilespmem:s25+$0xC800] =	vst v4  }
.LBB2_2:
0x60: {  	p0 =	sne.s32 s28, $0x9FC0;
	v4 =	vld.idx.msk [tilespmem:v1+s21+$0x0], $0xffff;
	_ =	sdelay $0x3  }
0x61: {  	v1 =	vmov v3;
	_ =	sdelay $0x1  }
0x62: {  	[tilespmem:s25+$0xF000] =	vst v4;
	s25 =	smov.u32 s26  }
0x63: {  	v3 =	vld.idx.msk [tilespmem:v3+s20+$0x0], $0xffff  }
0x64: {  	v2 =	vld.idx.msk [tilespmem:v2+s20+$0x0], $0xffff;
	_ =	sdelay $0x3  }
.Ltmp0:
0x65: {  	(pc) =	sbr.rel @p0 .LBB2_2-.Ltmp0, $4  }
0x66: {  	_ = 	snop  }
0x67: {  	s26 =	sshra.s32 s28, $0x2;
	v4 =	vmul.f32 v3, v2  }
0x68: {  	v2 =	vld [tilespmem:s26+$0x2800]  }
0x69: {  	s28 =	sadd.s32 $0x40, s28;
	v3 =	vld [tilespmem:s26+$0x5000];
	[tilespmem:s25+$0xC800] =	vst v4  }
0x6a: {  	_ =	sdelay $0x3  }
0x6b: {  	v1 =	vld.idx.msk [tilespmem:v1+s21+$0x0], $0xffff;
	_ =	sdelay $0x4  }
0x6c: {  	[tilespmem:s25+$0xF000] =	vst v1  }
0x6d: {  	v1 =	vld.idx.msk [tilespmem:v3+s20+$0x0], $0xffff  }
0x6e: {  	v2 =	vld.idx.msk [tilespmem:v2+s20+$0x0], $0xffff;
	_ =	sdelay $0x4  }
0x6f: {  	v1 =	vmul.f32 v1, v2;
	_ =	sdelay $0x1  }
0x70: {  	[tilespmem:s26+$0xC800] =	vst v1  }
0x71: {  	v1 =	vld.idx.msk [tilespmem:v3+s21+$0x0], $0xffff;
	_ =	sdelay $0x4  }
0x72: {  	s29 =	simm.s32 $0x0;
	s30 =	simm.s32 $0xC800;
	[tilespmem:s26+$0xF000] =	vst v1  }
0x73: {  	[spmem:s2] =	stream.indirect.scatter.add.f32 [tilespmem:s30], [sflag:$0x1], $0x1, s29, s16, $0xb8;
	[tilespmem:$0x11F80] =	vst v63  }
0x74: {  	_ =	swait.ge [sflag:s15], $0x80  }
0x75: {  	[sflag:s15] =	ssyncset.done $0x0  }
0x76: {  	s31 =	simm.s32 $0xF000;
	[sflag:s15] =	ssyncadd.s32 $0xFFFFFF80  }
0x77: {  	[spmem:s3] =	stream.indirect.scatter.add.f32 [tilespmem:s31], [sflag:$0x1], $0x1, s29, s16, $0xb8;
	[tilespmem:$0x11F80] =	vst v63  }
0x78: {  	_ =	swait.ge [sflag:s15], $0x80  }
0x79: {  	s25 =	simm.s32 $0x80;
	s26 =	simm.s32 $0x400;
	[sflag:s15] =	ssyncset.done $0x0  }
.LBB2_4:
0x7a: {  	s28 =	sadd.s32 $0xC800, s25  }
0x7b: {  	[sflag:s15] =	ssyncadd.s32 $0xFFFFFF80;
	s29 =	smov.u32 s26;
	s30 =	sadd.s32 $0x200, s26  }
0x7c: {  	[spmem:s2] =	stream.indirect.scatter.add.f32 [tilespmem:s28], [sflag:$0x1], $0x1, s25, s16, $0xb8;
	[tilespmem:$0x11F80] =	vst v63  }
0x7d: {  	p0 =	sne.s32 s26, $0x9E00;
	_ =	swait.ge [sflag:s15], $0x80  }
.Ltmp1:
0x7e: {  	[sflag:s15] =	ssyncset.done $0x0;
	(pc) =	sbr.rel @p0 .LBB2_4-.Ltmp1, $4  }
0x7f: {  	s26 =	sadd.s32 $0xF000, s25;
	[sflag:s15] =	ssyncadd.s32 $0xFFFFFF80  }
0x80: {  	[spmem:s3] =	stream.indirect.scatter.add.f32 [tilespmem:s26], [sflag:$0x1], $0x1, s25, s16, $0xb8;
	[tilespmem:$0x11F80] =	vst v63  }
0x81: {  	_ =	swait.ge [sflag:s15], $0x80  }
0x82: {  	s25 =	sshra.s32 s29, $0x2;
	s26 =	smov.u32 s30;
	[sflag:s15] =	ssyncset.done $0x0  }
0x83: {  	s26 =	sadd.s32 $0xC800, s25;
	[sflag:s15] =	ssyncadd.s32 $0xFFFFFF80  }
0x84: {  	[spmem:s2] =	stream.indirect.scatter.add.f32 [tilespmem:s26], [sflag:$0x1], $0x1, s25, s16, $0xb8;
	[tilespmem:$0x11F80] =	vst v63  }
0x85: {  	_ =	swait.ge [sflag:s15], $0x80  }
0x86: {  	[sflag:s15] =	ssyncset.done $0x0  }
0x87: {  	s31 =	sadd.s32 $0xF000, s25;
	[sflag:s15] =	ssyncadd.s32 $0xFFFFFF80  }
0x88: {  	[spmem:s3] =	stream.indirect.scatter.add.f32 [tilespmem:s31], [sflag:$0x1], $0x1, s25, s16, $0xb8;
	[tilespmem:$0x11F80] =	vst v63  }
0x89: {  	_ =	swait.ge [sflag:s15], $0x80  }
0x8a: {  	[sflag:s15] =	ssyncset.done $0x0  }
0x8b: {  	[sflag:s15] =	ssyncadd.s32 $0xFFFFFF80  }
0x8c: {  	[bflag:$0x0] =	sbarrier.arrive $0xFFFF  }
0x8d: {  	[tilespmem:s22], [sflag:$0x1] =	stream.linear.gather [spmem:s10], $0x280, $0x38;
	[tilespmem:$0x11F80] =	vst v63  }
0x8e: {  	_ =	swait.ge [sflag:s15], $0x280  }
0x8f: {  	[sflag:s15] =	ssyncset.done $0x0  }
0x90: {  	[sflag:s15] =	ssyncadd.s32 $0xFFFFFD80  }
0x91: {  	[hbm4b:s12+s16] =	stream.strided.scatter [tilespmem:s22], [sflag:$0x1], $0x280, s23, s16, $0x38;
	[tilespmem:$0x11F80] =	vst v63  }
0x92: {  	_ =	swait.ge [sflag:s15], $0x280  }
0x93: {  	[sflag:s15] =	ssyncset.done $0x0  }
0x94: {  	[sflag:s15] =	ssyncadd.s32 $0xFFFFFD80  }
0x95: {  	[tilespmem:s22], [sflag:$0x1] =	stream.linear.gather [spmem:s11], $0x280, $0x38;
	[tilespmem:$0x11F80] =	vst v63  }
0x96: {  	s24 =	sadd.s32 $0x1, s24;
	_ =	swait.ge [sflag:s15], $0x280  }
0x97: {  	p0 =	sne.s32 s24, s14;
	[sflag:s15] =	ssyncset.done $0x0  }
.Ltmp2:
0x98: {  	[sflag:s15] =	ssyncadd.s32 $0xFFFFFD80;
	(pc) =	sbr.rel @p0 .LBB2_1-.Ltmp2, $4  }
0x99: {  	[hbm4b:s13+s16] =	stream.strided.scatter [tilespmem:s22], [sflag:$0x1], $0x280, s23, s16, $0x38;
	[tilespmem:$0x11F80] =	vst v63  }
0x9a: {  	_ =	swait.ge [sflag:s15], $0x280  }
0x9b: {  	[sflag:s15] =	ssyncset.done $0x0  }
0x9c: {  	[sflag:s15] =	ssyncadd.s32 $0xFFFFFD80  }
0x9d: {  	_ =	sfence.sel $0x180000  }
0x9e: {  	[bflag:$0x0] =	sbarrier.arrive $0xFFFF  }
0x9f: {  	p0 =	sne.s32 s0, $0x0;
	_ =	strace $0x9000004A  }
0xa0: {  	s0 =	sadd.s32 @!p0 $0x100000, s1;
	[bflag:$0x2] =	sbarrier.arrive $0xFFFF  }
0xa1: {  	[sflag:s0] =	ssyncadd.tile.s32 @!p0 $0x1;
	_ =	shalt  }
.Lfunc_end2:
_tile_overlayer_lowered:
.L_overlay_start_2:
0xa2: {  	(tag) =	ssettag $0x2  }
0xa3: {  	s0 =	rddreg [dreg:$0x0];
	s2 =	stileid.u32  }
0xa4: {  	s1 =	rddreg [dreg:$0x1];
	p0 =	sne.s32 s2, $0x0  }
0xa5: {  	s3 =	rddreg [dreg:$0x2];
	[bflag:$0x3] =	sbarrier.arrive $0xFFFF;
	s2 =	simm.s32 @!p0 $0x1C01  }
0xa6: {  	[timem:s3], [sflag:s2] =	dma.local @!p0 [hbm:s0], s1  }
0xa7: {  	s0 =	simm.s32 @!p0 $0x1  }
0xa8: {  	_ =	swait.ge @!p0 [sflag:s0], s1  }
0xa9: {  	s1 =	ssub.s32 @!p0 $0x0, s1;
	[sflag:s0] =	ssyncset.done @!p0 $0x0  }
0xaa: {  	[sflag:s0] =	ssyncadd.s32 @!p0 s1  }
0xab: {  	[bflag:$0x3] =	sbarrier.arrive $0xFFFF  }
0xac: {  	_ =	shalt  }

</sc_bundles>
